<compile_context>
chip_gen: v7x
topology: tpu7x:2x2x1
jax: 0.10.2.dev20260603
libtpu: 0.0.44.dev20260713+nightly
codegen_flags: <defaults>
</compile_context>

<pallas_src>
import functools

import jax
import jax.numpy as jnp
from jax import lax
from jax.experimental import pallas as pl
from jax.experimental.pallas import tpu as pltpu
from jax.experimental.pallas import tpu_sc as plsc

CHUNK = 128
S = 2
SUPER = S * CHUNK
NBUF = 4


@functools.cache
def _make_gather(H, Bb, D):
    B = H * Bb
    info = plsc.get_sparse_core_info()
    NC, NS = info.num_cores, info.num_subcores
    NW = NC * NS
    assert B % (NW * SUPER) == 0 and Bb % SUPER == 0
    b_per_w = B // NW
    n_chunks = b_per_w // CHUNK
    n_super = b_per_w // SUPER
    nbuf = max(n for n in (NBUF, 2, 1) if n_super % n == 0)

    mesh = plsc.VectorSubcoreMesh(core_axis_name="c", subcore_axis_name="s")

    @functools.partial(
        pl.kernel,
        mesh=mesh,
        out_type=jax.ShapeDtypeStruct((H, Bb, 128), jnp.float32),
        scratch_types=[
            pltpu.VMEM((n_chunks, CHUNK), jnp.int32),
            pltpu.VMEM((nbuf, SUPER, D), jnp.float32),
        ]
        + [pltpu.SemaphoreType.DMA] * (2 * nbuf),
        compiler_params=pltpu.CompilerParams(use_tc_tiling_on_sc=False),
    )
    def gather_kernel(table_hbm, idx_hbm, out_hbm, idx_v, rows_v, *sems):
        gsem = sems[:nbuf]
        ssem = sems[nbuf:]
        wid = lax.axis_index("s") * NC + lax.axis_index("c")
        base = wid * b_per_w
        pltpu.sync_copy(idx_hbm.at[pl.ds(wid * n_chunks, n_chunks)], idx_v)

        def out_view(g, b):
            row = base + g * SUPER
            return out_hbm.at[row // Bb, pl.ds(row % Bb, SUPER), pl.ds(0, D)]

        def fire_gathers(g, b):
            for s in range(S):
                pltpu.async_copy(
                    table_hbm.at[idx_v.at[g * S + s]],
                    rows_v.at[b, pl.ds(s * CHUNK, CHUNK)],
                    gsem[b],
                )

        def wait_gathers(g, b):
            for s in range(S):
                pltpu.make_async_copy(
                    table_hbm.at[idx_v.at[g * S + s]],
                    rows_v.at[b, pl.ds(s * CHUNK, CHUNK)],
                    gsem[b],
                ).wait()

        def fire_store(g, b):
            pltpu.async_copy(rows_v.at[b], out_view(g, b), ssem[b])

        def wait_store(g, b):
            pltpu.make_async_copy(rows_v.at[b], out_view(g, b), ssem[b]).wait()

        for b in range(nbuf):
            fire_gathers(b, b)

        def outer_body(outer, carry):
            for db in range(nbuf):
                g = outer * nbuf + db
                bp = (db - 1) % nbuf
                gp = g - 1 + nbuf

                @pl.when((g >= 1) & (gp < n_super))
                def _():
                    wait_store(gp - nbuf, bp)
                    fire_gathers(gp, bp)

                wait_gathers(g, db)
                fire_store(g, db)
            return carry

        lax.fori_loop(0, n_super // nbuf, outer_body, 0)

        for b in range(nbuf):
            wait_store(n_super - nbuf + b, b)

    return gather_kernel


@functools.cache
def _make_tc_retile(H, Bb, D):
    BCHUNK = 16384
    n_j = Bb // BCHUNK

    def body(z_ref, out_ref):
        zt = jnp.transpose(z_ref[...], (1, 0))
        out_ref[...] = zt[None, :D, :]

    return pl.pallas_call(
        body,
        grid=(H, n_j),
        in_specs=[
            pl.BlockSpec((BCHUNK, 128), lambda h, j: (h * n_j + j, 0))
        ],
        out_specs=pl.BlockSpec((1, D, BCHUNK), lambda h, j: (h, 0, j)),
        out_shape=jax.ShapeDtypeStruct((H, D, Bb), jnp.float32),
    )


def kernel(x, emb_table):
    Bb, H = x.shape
    D = emb_table.shape[1]
    idx = jnp.swapaxes(x, 0, 1).reshape(x.size // CHUNK, CHUNK).astype(jnp.int32)
    zp = _make_gather(H, Bb, D)(emb_table, idx)
    z128 = zp.reshape(H * Bb, 128)
    r = _make_tc_retile(H, Bb, D)(z128)
    return jnp.transpose(r, (2, 0, 1))

# --- scband reference (transcript-rebuilt; emitter-appended) ---
"""Pipeline reference for scband-action-embedding-55637006352410 (READ-ONLY COPY).

The authoritative reference and input builder live on the scoring server;
editing this copy changes nothing except your own understanding.
"""

import jax, jax.numpy as jnp
import numpy as np

NUM_ACTIONS = 100000
D_MODEL = 64
BATCH = 16384
HIST = 50

def setup_inputs(seed: int = 0) -> dict:
    key = jax.random.key(seed)
    k_idx, k_emb = jax.random.split(key, 2)
    x = jax.random.randint(k_idx, (BATCH, HIST), 0, NUM_ACTIONS, dtype=jnp.int64 if jax.config.jax_enable_x64 else jnp.int32)
    emb_table = jax.random.normal(k_emb, (NUM_ACTIONS, D_MODEL), dtype=jnp.float32)
    return {"x": x, "emb_table": emb_table}

def reference(x, emb_table):
    # x has integer dtype -> embedding lookup path of ActionEmbedding.forward
    return jnp.take(emb_table, x, axis=0)

if __name__ == "__main__":
    import jax
    _d = setup_inputs()
    print(jax.jit(kernel)(*tuple(_d.values())))

</pallas_src>

<mosaic_0001>
#map = affine_map<(d0, d1) -> (0, 0)>
#map1 = affine_map<(d0, d1) -> (0, 0, 0)>
module attributes {stable_mosaic.version = 14 : i64} {
  func.func @gather_kernel(%arg0: i32, %arg1: i32, %arg2: memref<100000x64xf32, #tpu.memory_space<hbm>>, %arg3: memref<6400x128xi32, #tpu.memory_space<hbm>>, %arg4: memref<50x16384x128xf32, #tpu.memory_space<hbm>>, %arg5: memref<200x128xi32, #tpu.memory_space<vmem>>, %arg6: memref<4x256x64xf32, #tpu.memory_space<vmem>>, %arg7: memref<!tpu.dma_semaphore, #tpu.memory_space<semaphore_mem>>, %arg8: memref<!tpu.dma_semaphore, #tpu.memory_space<semaphore_mem>>, %arg9: memref<!tpu.dma_semaphore, #tpu.memory_space<semaphore_mem>>, %arg10: memref<!tpu.dma_semaphore, #tpu.memory_space<semaphore_mem>>, %arg11: memref<!tpu.dma_semaphore, #tpu.memory_space<semaphore_mem>>, %arg12: memref<!tpu.dma_semaphore, #tpu.memory_space<semaphore_mem>>, %arg13: memref<!tpu.dma_semaphore, #tpu.memory_space<semaphore_mem>>, %arg14: memref<!tpu.dma_semaphore, #tpu.memory_space<semaphore_mem>>) attributes {dimension_semantics = [#tpu.dimension_semantics<core_parallel>, #tpu.dimension_semantics<subcore_parallel>], iteration_bounds = array<i64: 2, 16>, scalar_prefetch = 0 : i64, scratch_operands = 10 : i64, tpu.core_type = #tpu.core_type<sc_vector_subcore>, window_params = [{transform_indices = #map}, {transform_indices = #map}, {transform_indices = #map1}]} {
    %mul3A = arith.constant 2 : i32
    %mul3A_0 = arith.muli %arg1, %mul3A : i32
    %add3A = arith.addi %mul3A_0, %arg0 : i32
    %mul3A_1 = arith.constant 25600 : i32
    %mul3A_2 = arith.muli %add3A, %mul3A_1 : i32
    %mul3A_3 = arith.constant 200 : i32
    %mul3A_4 = arith.muli %add3A, %mul3A_3 : i32
    "tpu.region"() ({
      %run_scoped3A = tpu.sem_alloc : memref<!tpu.dma_semaphore, #tpu.memory_space<semaphore_mem>>
      %dma_start3A_322 = arith.constant 0 : i32
      %dma_start3A_323 = tpu.memref_slice %arg3[%mul3A_4, %dma_start3A_322] : memref<6400x128xi32, #tpu.memory_space<hbm>> -> memref<200x128xi32, #tpu.memory_space<hbm>>
      %dma_start3A_324 = arith.constant 0 : i32
      %dma_start3A_325 = tpu.memref_slice %arg3[%mul3A_4, %dma_start3A_324] : memref<6400x128xi32, #tpu.memory_space<hbm>> -> memref<200x128xi32, #tpu.memory_space<hbm>>
      tpu.enqueue_dma source(%dma_start3A_325 : memref<200x128xi32, #tpu.memory_space<hbm>>) target(%arg5 : memref<200x128xi32, #tpu.memory_space<vmem>>) target_semaphore(%run_scoped3A : memref<!tpu.dma_semaphore, #tpu.memory_space<semaphore_mem>>)
      %dma_wait3A_326 = arith.constant 0 : i32
      %dma_wait3A_327 = tpu.memref_slice %arg3[%mul3A_4, %dma_wait3A_326] : memref<6400x128xi32, #tpu.memory_space<hbm>> -> memref<200x128xi32, #tpu.memory_space<hbm>>
      %dma_wait3A_328 = arith.constant 0 : i32
      %dma_wait3A_329 = tpu.memref_slice %arg3[%mul3A_4, %dma_wait3A_328] : memref<6400x128xi32, #tpu.memory_space<hbm>> -> memref<200x128xi32, #tpu.memory_space<hbm>>
      tpu.wait_dma2 semaphore(%run_scoped3A : memref<!tpu.dma_semaphore, #tpu.memory_space<semaphore_mem>>) src(%dma_wait3A_329 : memref<200x128xi32, #tpu.memory_space<hbm>>) dst(%arg5 : memref<200x128xi32, #tpu.memory_space<vmem>>)
      tpu.yield
    }) : () -> ()
    %dma_start3A = arith.constant 0 : i32
    %dma_start3A_5 = arith.constant 0 : i32
    %dma_start3A_6 = arith.constant 0 : i32
    %dma_start3A_7 = arith.constant 0 : i32
    %dma_start3A_8 = tpu.memref_slice %arg6[%dma_start3A_5, %dma_start3A_6, %dma_start3A_7] : memref<4x256x64xf32, #tpu.memory_space<vmem>> -> memref<1x128x64xf32, #tpu.memory_space<vmem>>
    %dma_start3A_9 = tpu.memref_squeeze %dma_start3A_8 : memref<1x128x64xf32, #tpu.memory_space<vmem>> -> memref<128x64xf32, #tpu.memory_space<vmem>>
    %dma_start3A_10 = arith.constant 0 : i32
    %dma_start3A_11 = tpu.memref_slice %arg5[%dma_start3A, %dma_start3A_10] : memref<200x128xi32, #tpu.memory_space<vmem>> -> memref<1x128xi32, #tpu.memory_space<vmem>>
    %dma_start3A_12 = tpu.memref_squeeze %dma_start3A_11 : memref<1x128xi32, #tpu.memory_space<vmem>> -> memref<128xi32, #tpu.memory_space<vmem>>
    %dma_start3A_13 = arith.constant 0 : i32
    %dma_start3A_14 = arith.constant 0 : i32
    %dma_start3A_15 = tpu.memref_slice %arg2[%dma_start3A_13, %dma_start3A_14] : memref<100000x64xf32, #tpu.memory_space<hbm>> -> memref<100000x64xf32, #tpu.memory_space<hbm>>
    tpu.enqueue_indirect_dma source(%dma_start3A_15 : memref<100000x64xf32, #tpu.memory_space<hbm>>) target(%dma_start3A_9 : memref<128x64xf32, #tpu.memory_space<vmem>>) offsets(%dma_start3A_12 : memref<128xi32, #tpu.memory_space<vmem>>) semaphore(%arg7 : memref<!tpu.dma_semaphore, #tpu.memory_space<semaphore_mem>>)
    %dma_start3A_16 = arith.constant 1 : i32
    %dma_start3A_17 = arith.constant 0 : i32
    %dma_start3A_18 = arith.constant 128 : i32
    %dma_start3A_19 = arith.constant 0 : i32
    %dma_start3A_20 = tpu.memref_slice %arg6[%dma_start3A_17, %dma_start3A_18, %dma_start3A_19] : memref<4x256x64xf32, #tpu.memory_space<vmem>> -> memref<1x128x64xf32, #tpu.memory_space<vmem>>
    %dma_start3A_21 = tpu.memref_squeeze %dma_start3A_20 : memref<1x128x64xf32, #tpu.memory_space<vmem>> -> memref<128x64xf32, #tpu.memory_space<vmem>>
    %dma_start3A_22 = arith.constant 0 : i32
    %dma_start3A_23 = tpu.memref_slice %arg5[%dma_start3A_16, %dma_start3A_22] : memref<200x128xi32, #tpu.memory_space<vmem>> -> memref<1x128xi32, #tpu.memory_space<vmem>>
    %dma_start3A_24 = tpu.memref_squeeze %dma_start3A_23 : memref<1x128xi32, #tpu.memory_space<vmem>> -> memref<128xi32, #tpu.memory_space<vmem>>
    %dma_start3A_25 = arith.constant 0 : i32
    %dma_start3A_26 = arith.constant 0 : i32
    %dma_start3A_27 = tpu.memref_slice %arg2[%dma_start3A_25, %dma_start3A_26] : memref<100000x64xf32, #tpu.memory_space<hbm>> -> memref<100000x64xf32, #tpu.memory_space<hbm>>
    tpu.enqueue_indirect_dma source(%dma_start3A_27 : memref<100000x64xf32, #tpu.memory_space<hbm>>) target(%dma_start3A_21 : memref<128x64xf32, #tpu.memory_space<vmem>>) offsets(%dma_start3A_24 : memref<128xi32, #tpu.memory_space<vmem>>) semaphore(%arg7 : memref<!tpu.dma_semaphore, #tpu.memory_space<semaphore_mem>>)
    %dma_start3A_28 = arith.constant 2 : i32
    %dma_start3A_29 = arith.constant 1 : i32
    %dma_start3A_30 = arith.constant 0 : i32
    %dma_start3A_31 = arith.constant 0 : i32
    %dma_start3A_32 = tpu.memref_slice %arg6[%dma_start3A_29, %dma_start3A_30, %dma_start3A_31] : memref<4x256x64xf32, #tpu.memory_space<vmem>> -> memref<1x128x64xf32, #tpu.memory_space<vmem>>
    %dma_start3A_33 = tpu.memref_squeeze %dma_start3A_32 : memref<1x128x64xf32, #tpu.memory_space<vmem>> -> memref<128x64xf32, #tpu.memory_space<vmem>>
    %dma_start3A_34 = arith.constant 0 : i32
    %dma_start3A_35 = tpu.memref_slice %arg5[%dma_start3A_28, %dma_start3A_34] : memref<200x128xi32, #tpu.memory_space<vmem>> -> memref<1x128xi32, #tpu.memory_space<vmem>>
    %dma_start3A_36 = tpu.memref_squeeze %dma_start3A_35 : memref<1x128xi32, #tpu.memory_space<vmem>> -> memref<128xi32, #tpu.memory_space<vmem>>
    %dma_start3A_37 = arith.constant 0 : i32
    %dma_start3A_38 = arith.constant 0 : i32
    %dma_start3A_39 = tpu.memref_slice %arg2[%dma_start3A_37, %dma_start3A_38] : memref<100000x64xf32, #tpu.memory_space<hbm>> -> memref<100000x64xf32, #tpu.memory_space<hbm>>
    tpu.enqueue_indirect_dma source(%dma_start3A_39 : memref<100000x64xf32, #tpu.memory_space<hbm>>) target(%dma_start3A_33 : memref<128x64xf32, #tpu.memory_space<vmem>>) offsets(%dma_start3A_36 : memref<128xi32, #tpu.memory_space<vmem>>) semaphore(%arg8 : memref<!tpu.dma_semaphore, #tpu.memory_space<semaphore_mem>>)
    %dma_start3A_40 = arith.constant 3 : i32
    %dma_start3A_41 = arith.constant 1 : i32
    %dma_start3A_42 = arith.constant 128 : i32
    %dma_start3A_43 = arith.constant 0 : i32
    %dma_start3A_44 = tpu.memref_slice %arg6[%dma_start3A_41, %dma_start3A_42, %dma_start3A_43] : memref<4x256x64xf32, #tpu.memory_space<vmem>> -> memref<1x128x64xf32, #tpu.memory_space<vmem>>
    %dma_start3A_45 = tpu.memref_squeeze %dma_start3A_44 : memref<1x128x64xf32, #tpu.memory_space<vmem>> -> memref<128x64xf32, #tpu.memory_space<vmem>>
    %dma_start3A_46 = arith.constant 0 : i32
    %dma_start3A_47 = tpu.memref_slice %arg5[%dma_start3A_40, %dma_start3A_46] : memref<200x128xi32, #tpu.memory_space<vmem>> -> memref<1x128xi32, #tpu.memory_space<vmem>>
    %dma_start3A_48 = tpu.memref_squeeze %dma_start3A_47 : memref<1x128xi32, #tpu.memory_space<vmem>> -> memref<128xi32, #tpu.memory_space<vmem>>
    %dma_start3A_49 = arith.constant 0 : i32
    %dma_start3A_50 = arith.constant 0 : i32
    %dma_start3A_51 = tpu.memref_slice %arg2[%dma_start3A_49, %dma_start3A_50] : memref<100000x64xf32, #tpu.memory_space<hbm>> -> memref<100000x64xf32, #tpu.memory_space<hbm>>
    tpu.enqueue_indirect_dma source(%dma_start3A_51 : memref<100000x64xf32, #tpu.memory_space<hbm>>) target(%dma_start3A_45 : memref<128x64xf32, #tpu.memory_space<vmem>>) offsets(%dma_start3A_48 : memref<128xi32, #tpu.memory_space<vmem>>) semaphore(%arg8 : memref<!tpu.dma_semaphore, #tpu.memory_space<semaphore_mem>>)
    %dma_start3A_52 = arith.constant 4 : i32
    %dma_start3A_53 = arith.constant 2 : i32
    %dma_start3A_54 = arith.constant 0 : i32
    %dma_start3A_55 = arith.constant 0 : i32
    %dma_start3A_56 = tpu.memref_slice %arg6[%dma_start3A_53, %dma_start3A_54, %dma_start3A_55] : memref<4x256x64xf32, #tpu.memory_space<vmem>> -> memref<1x128x64xf32, #tpu.memory_space<vmem>>
    %dma_start3A_57 = tpu.memref_squeeze %dma_start3A_56 : memref<1x128x64xf32, #tpu.memory_space<vmem>> -> memref<128x64xf32, #tpu.memory_space<vmem>>
    %dma_start3A_58 = arith.constant 0 : i32
    %dma_start3A_59 = tpu.memref_slice %arg5[%dma_start3A_52, %dma_start3A_58] : memref<200x128xi32, #tpu.memory_space<vmem>> -> memref<1x128xi32, #tpu.memory_space<vmem>>
    %dma_start3A_60 = tpu.memref_squeeze %dma_start3A_59 : memref<1x128xi32, #tpu.memory_space<vmem>> -> memref<128xi32, #tpu.memory_space<vmem>>
    %dma_start3A_61 = arith.constant 0 : i32
    %dma_start3A_62 = arith.constant 0 : i32
    %dma_start3A_63 = tpu.memref_slice %arg2[%dma_start3A_61, %dma_start3A_62] : memref<100000x64xf32, #tpu.memory_space<hbm>> -> memref<100000x64xf32, #tpu.memory_space<hbm>>
    tpu.enqueue_indirect_dma source(%dma_start3A_63 : memref<100000x64xf32, #tpu.memory_space<hbm>>) target(%dma_start3A_57 : memref<128x64xf32, #tpu.memory_space<vmem>>) offsets(%dma_start3A_60 : memref<128xi32, #tpu.memory_space<vmem>>) semaphore(%arg9 : memref<!tpu.dma_semaphore, #tpu.memory_space<semaphore_mem>>)
    %dma_start3A_64 = arith.constant 5 : i32
    %dma_start3A_65 = arith.constant 2 : i32
    %dma_start3A_66 = arith.constant 128 : i32
    %dma_start3A_67 = arith.constant 0 : i32
    %dma_start3A_68 = tpu.memref_slice %arg6[%dma_start3A_65, %dma_start3A_66, %dma_start3A_67] : memref<4x256x64xf32, #tpu.memory_space<vmem>> -> memref<1x128x64xf32, #tpu.memory_space<vmem>>
    %dma_start3A_69 = tpu.memref_squeeze %dma_start3A_68 : memref<1x128x64xf32, #tpu.memory_space<vmem>> -> memref<128x64xf32, #tpu.memory_space<vmem>>
    %dma_start3A_70 = arith.constant 0 : i32
    %dma_start3A_71 = tpu.memref_slice %arg5[%dma_start3A_64, %dma_start3A_70] : memref<200x128xi32, #tpu.memory_space<vmem>> -> memref<1x128xi32, #tpu.memory_space<vmem>>
    %dma_start3A_72 = tpu.memref_squeeze %dma_start3A_71 : memref<1x128xi32, #tpu.memory_space<vmem>> -> memref<128xi32, #tpu.memory_space<vmem>>
    %dma_start3A_73 = arith.constant 0 : i32
    %dma_start3A_74 = arith.constant 0 : i32
    %dma_start3A_75 = tpu.memref_slice %arg2[%dma_start3A_73, %dma_start3A_74] : memref<100000x64xf32, #tpu.memory_space<hbm>> -> memref<100000x64xf32, #tpu.memory_space<hbm>>
    tpu.enqueue_indirect_dma source(%dma_start3A_75 : memref<100000x64xf32, #tpu.memory_space<hbm>>) target(%dma_start3A_69 : memref<128x64xf32, #tpu.memory_space<vmem>>) offsets(%dma_start3A_72 : memref<128xi32, #tpu.memory_space<vmem>>) semaphore(%arg9 : memref<!tpu.dma_semaphore, #tpu.memory_space<semaphore_mem>>)
    %dma_start3A_76 = arith.constant 6 : i32
    %dma_start3A_77 = arith.constant 3 : i32
    %dma_start3A_78 = arith.constant 0 : i32
    %dma_start3A_79 = arith.constant 0 : i32
    %dma_start3A_80 = tpu.memref_slice %arg6[%dma_start3A_77, %dma_start3A_78, %dma_start3A_79] : memref<4x256x64xf32, #tpu.memory_space<vmem>> -> memref<1x128x64xf32, #tpu.memory_space<vmem>>
    %dma_start3A_81 = tpu.memref_squeeze %dma_start3A_80 : memref<1x128x64xf32, #tpu.memory_space<vmem>> -> memref<128x64xf32, #tpu.memory_space<vmem>>
    %dma_start3A_82 = arith.constant 0 : i32
    %dma_start3A_83 = tpu.memref_slice %arg5[%dma_start3A_76, %dma_start3A_82] : memref<200x128xi32, #tpu.memory_space<vmem>> -> memref<1x128xi32, #tpu.memory_space<vmem>>
    %dma_start3A_84 = tpu.memref_squeeze %dma_start3A_83 : memref<1x128xi32, #tpu.memory_space<vmem>> -> memref<128xi32, #tpu.memory_space<vmem>>
    %dma_start3A_85 = arith.constant 0 : i32
    %dma_start3A_86 = arith.constant 0 : i32
    %dma_start3A_87 = tpu.memref_slice %arg2[%dma_start3A_85, %dma_start3A_86] : memref<100000x64xf32, #tpu.memory_space<hbm>> -> memref<100000x64xf32, #tpu.memory_space<hbm>>
    tpu.enqueue_indirect_dma source(%dma_start3A_87 : memref<100000x64xf32, #tpu.memory_space<hbm>>) target(%dma_start3A_81 : memref<128x64xf32, #tpu.memory_space<vmem>>) offsets(%dma_start3A_84 : memref<128xi32, #tpu.memory_space<vmem>>) semaphore(%arg10 : memref<!tpu.dma_semaphore, #tpu.memory_space<semaphore_mem>>)
    %dma_start3A_88 = arith.constant 7 : i32
    %dma_start3A_89 = arith.constant 3 : i32
    %dma_start3A_90 = arith.constant 128 : i32
    %dma_start3A_91 = arith.constant 0 : i32
    %dma_start3A_92 = tpu.memref_slice %arg6[%dma_start3A_89, %dma_start3A_90, %dma_start3A_91] : memref<4x256x64xf32, #tpu.memory_space<vmem>> -> memref<1x128x64xf32, #tpu.memory_space<vmem>>
    %dma_start3A_93 = tpu.memref_squeeze %dma_start3A_92 : memref<1x128x64xf32, #tpu.memory_space<vmem>> -> memref<128x64xf32, #tpu.memory_space<vmem>>
    %dma_start3A_94 = arith.constant 0 : i32
    %dma_start3A_95 = tpu.memref_slice %arg5[%dma_start3A_88, %dma_start3A_94] : memref<200x128xi32, #tpu.memory_space<vmem>> -> memref<1x128xi32, #tpu.memory_space<vmem>>
    %dma_start3A_96 = tpu.memref_squeeze %dma_start3A_95 : memref<1x128xi32, #tpu.memory_space<vmem>> -> memref<128xi32, #tpu.memory_space<vmem>>
    %dma_start3A_97 = arith.constant 0 : i32
    %dma_start3A_98 = arith.constant 0 : i32
    %dma_start3A_99 = tpu.memref_slice %arg2[%dma_start3A_97, %dma_start3A_98] : memref<100000x64xf32, #tpu.memory_space<hbm>> -> memref<100000x64xf32, #tpu.memory_space<hbm>>
    tpu.enqueue_indirect_dma source(%dma_start3A_99 : memref<100000x64xf32, #tpu.memory_space<hbm>>) target(%dma_start3A_93 : memref<128x64xf32, #tpu.memory_space<vmem>>) offsets(%dma_start3A_96 : memref<128xi32, #tpu.memory_space<vmem>>) semaphore(%arg10 : memref<!tpu.dma_semaphore, #tpu.memory_space<semaphore_mem>>)
    %scan3A = arith.constant 0 : i32
    %scan3A_100 = arith.constant 0 : i32
    %scan3A_101 = arith.constant 25 : i32
    %scan3A_102 = arith.addi %scan3A_100, %scan3A_101 : i32
    %scan3A_103 = arith.constant 1 : i32
    scf.for %scan3A_322 = %scan3A_100 to %scan3A_102 step %scan3A_103  : i32 {
      %mul3A_323 = arith.constant 4 : i32
      %mul3A_324 = arith.muli %scan3A_322, %mul3A_323 : i32
      %add3A_325 = arith.constant 0 : i32
      %add3A_326 = arith.addi %mul3A_324, %add3A_325 : i32
      %sub3A_327 = arith.constant 1 : i32
      %sub3A_328 = arith.subi %add3A_326, %sub3A_327 : i32
      %add3A_329 = arith.constant 4 : i32
      %add3A_330 = arith.addi %sub3A_328, %add3A_329 : i32
      %ge3A = arith.constant 1 : i32
      %ge3A_331 = arith.cmpi sge, %add3A_326, %ge3A : i32
      %lt3A_332 = arith.constant 100 : i32
      %lt3A_333 = arith.cmpi slt, %add3A_330, %lt3A_332 : i32
      %and3A_334 = arith.andi %ge3A_331, %lt3A_333 : i1
      %convert_element_type3A = arith.extui %and3A_334 : i1 to i32
      %cond3A = arith.constant 0 : i32
      %cond3A_335 = arith.cmpi ne, %convert_element_type3A, %cond3A : i32
      scf.if %cond3A_335 {
        %sub3A_736 = arith.constant 4 : i32
        %sub3A_737 = arith.subi %add3A_330, %sub3A_736 : i32
        %mul3A_738 = arith.constant 256 : i32
        %mul3A_739 = arith.muli %sub3A_737, %mul3A_738 : i32
        %add3A_740 = arith.addi %mul3A_2, %mul3A_739 : i32
        %jit3A_741 = arith.constant 16384 : i32
        %div3A_742 = arith.divsi %add3A_740, %jit3A_741 : i32
        %sign3A_743 = arith.constant 0 : i32
        %sign3A_744 = arith.cmpi sgt, %add3A_740, %sign3A_743 : i32
        %sign3A_745 = arith.extui %sign3A_744 : i1 to i32
        %sign3A_746 = arith.constant 0 : i32
        %sign3A_747 = arith.cmpi slt, %add3A_740, %sign3A_746 : i32
        %sign3A_748 = arith.extui %sign3A_747 : i1 to i32
        %sign3A_749 = arith.subi %sign3A_745, %sign3A_748 : i32
        %sign3A_750 = arith.constant 0 : i32
        %sign3A_751 = arith.cmpi sgt, %jit3A_741, %sign3A_750 : i32
        %sign3A_752 = arith.extui %sign3A_751 : i1 to i32
        %sign3A_753 = arith.constant 0 : i32
        %sign3A_754 = arith.cmpi slt, %jit3A_741, %sign3A_753 : i32
        %sign3A_755 = arith.extui %sign3A_754 : i1 to i32
        %sign3A_756 = arith.subi %sign3A_752, %sign3A_755 : i32
        %ne3A_757 = arith.cmpi ne, %sign3A_749, %sign3A_756 : i32
        %rem3A_758 = arith.remsi %add3A_740, %jit3A_741 : i32
        %ne3A_759 = arith.constant 0 : i32
        %ne3A_760 = arith.cmpi ne, %rem3A_758, %ne3A_759 : i32
        %and3A_761 = arith.andi %ne3A_757, %ne3A_760 : i1
        %sub3A_762 = arith.constant 1 : i32
        %sub3A_763 = arith.subi %div3A_742, %sub3A_762 : i32
        %select_n3A_764 = arith.select %and3A_761, %sub3A_763, %div3A_742 : i32
        %jit3A_765 = arith.constant 16384 : i32
        %eq3A_766 = arith.constant 0 : i32
        %eq3A_767 = arith.cmpi eq, %jit3A_765, %eq3A_766 : i32
        %jit3A_768 = arith.constant 1 : i32
        %select_n3A_769 = arith.select %eq3A_767, %jit3A_768, %jit3A_765 : i32
        %rem3A_770 = arith.remsi %add3A_740, %select_n3A_769 : i32
        %ne3A_771 = arith.constant 0 : i32
        %ne3A_772 = arith.cmpi ne, %rem3A_770, %ne3A_771 : i32
        %lt3A_773 = arith.constant 0 : i32
        %lt3A_774 = arith.cmpi slt, %rem3A_770, %lt3A_773 : i32
        %lt3A_775 = arith.constant 0 : i32
        %lt3A_776 = arith.cmpi slt, %select_n3A_769, %lt3A_775 : i32
        %ne3A_777 = arith.xori %lt3A_774, %lt3A_776 : i1
        %and3A_778 = arith.andi %ne3A_777, %ne3A_772 : i1
        %add3A_779 = arith.addi %rem3A_770, %select_n3A_769 : i32
        %select_n3A_780 = arith.select %and3A_778, %add3A_779, %rem3A_770 : i32
        %dma_wait3A_781 = arith.constant 3 : i32
        %dma_wait3A_782 = arith.constant 0 : i32
        %dma_wait3A_783 = arith.constant 0 : i32
        %dma_wait3A_784 = tpu.memref_slice %arg6[%dma_wait3A_781, %dma_wait3A_782, %dma_wait3A_783] : memref<4x256x64xf32, #tpu.memory_space<vmem>> -> memref<1x256x64xf32, #tpu.memory_space<vmem>>
        %dma_wait3A_785 = tpu.memref_squeeze %dma_wait3A_784 : memref<1x256x64xf32, #tpu.memory_space<vmem>> -> memref<256x64xf32, #tpu.memory_space<vmem>>
        %dma_wait3A_786 = arith.constant 0 : i32
        %dma_wait3A_787 = tpu.memref_slice %arg4[%select_n3A_764, %select_n3A_780, %dma_wait3A_786] : memref<50x16384x128xf32, #tpu.memory_space<hbm>> -> memref<1x256x64xf32, #tpu.memory_space<hbm>>
        %dma_wait3A_788 = tpu.memref_squeeze %dma_wait3A_787 : memref<1x256x64xf32, #tpu.memory_space<hbm>> -> memref<256x64xf32, #tpu.memory_space<hbm>>
        %dma_wait3A_789 = arith.constant 0 : i32
        %dma_wait3A_790 = tpu.memref_slice %arg4[%select_n3A_764, %select_n3A_780, %dma_wait3A_789] : memref<50x16384x128xf32, #tpu.memory_space<hbm>> -> memref<1x256x64xf32, #tpu.memory_space<hbm>>
        %dma_wait3A_791 = tpu.memref_squeeze %dma_wait3A_790 : memref<1x256x64xf32, #tpu.memory_space<hbm>> -> memref<256x64xf32, #tpu.memory_space<hbm>>
        %dma_wait3A_792 = arith.constant 0 : i32
        %dma_wait3A_793 = arith.constant 0 : i32
        %dma_wait3A_794 = tpu.memref_slice %arg6[%dma_wait3A_781, %dma_wait3A_792, %dma_wait3A_793] : memref<4x256x64xf32, #tpu.memory_space<vmem>> -> memref<1x256x64xf32, #tpu.memory_space<vmem>>
        %dma_wait3A_795 = tpu.memref_squeeze %dma_wait3A_794 : memref<1x256x64xf32, #tpu.memory_space<vmem>> -> memref<256x64xf32, #tpu.memory_space<vmem>>
        tpu.wait_dma2 semaphore(%arg14 : memref<!tpu.dma_semaphore, #tpu.memory_space<semaphore_mem>>) src(%dma_wait3A_795 : memref<256x64xf32, #tpu.memory_space<vmem>>) dst(%dma_wait3A_791 : memref<256x64xf32, #tpu.memory_space<hbm>>)
        %mul3A_796 = arith.constant 2 : i32
        %mul3A_797 = arith.muli %add3A_330, %mul3A_796 : i32
        %add3A_798 = arith.constant 0 : i32
        %add3A_799 = arith.addi %mul3A_797, %add3A_798 : i32
        %dma_start3A_800 = arith.constant 3 : i32
        %dma_start3A_801 = arith.constant 0 : i32
        %dma_start3A_802 = arith.constant 0 : i32
        %dma_start3A_803 = tpu.memref_slice %arg6[%dma_start3A_800, %dma_start3A_801, %dma_start3A_802] : memref<4x256x64xf32, #tpu.memory_space<vmem>> -> memref<1x128x64xf32, #tpu.memory_space<vmem>>
        %dma_start3A_804 = tpu.memref_squeeze %dma_start3A_803 : memref<1x128x64xf32, #tpu.memory_space<vmem>> -> memref<128x64xf32, #tpu.memory_space<vmem>>
        %dma_start3A_805 = arith.constant 0 : i32
        %dma_start3A_806 = tpu.memref_slice %arg5[%add3A_799, %dma_start3A_805] : memref<200x128xi32, #tpu.memory_space<vmem>> -> memref<1x128xi32, #tpu.memory_space<vmem>>
        %dma_start3A_807 = tpu.memref_squeeze %dma_start3A_806 : memref<1x128xi32, #tpu.memory_space<vmem>> -> memref<128xi32, #tpu.memory_space<vmem>>
        %dma_start3A_808 = arith.constant 0 : i32
        %dma_start3A_809 = arith.constant 0 : i32
        %dma_start3A_810 = tpu.memref_slice %arg2[%dma_start3A_808, %dma_start3A_809] : memref<100000x64xf32, #tpu.memory_space<hbm>> -> memref<100000x64xf32, #tpu.memory_space<hbm>>
        tpu.enqueue_indirect_dma source(%dma_start3A_810 : memref<100000x64xf32, #tpu.memory_space<hbm>>) target(%dma_start3A_804 : memref<128x64xf32, #tpu.memory_space<vmem>>) offsets(%dma_start3A_807 : memref<128xi32, #tpu.memory_space<vmem>>) semaphore(%arg10 : memref<!tpu.dma_semaphore, #tpu.memory_space<semaphore_mem>>)
        %mul3A_811 = arith.constant 2 : i32
        %mul3A_812 = arith.muli %add3A_330, %mul3A_811 : i32
        %add3A_813 = arith.constant 1 : i32
        %add3A_814 = arith.addi %mul3A_812, %add3A_813 : i32
        %dma_start3A_815 = arith.constant 3 : i32
        %dma_start3A_816 = arith.constant 128 : i32
        %dma_start3A_817 = arith.constant 0 : i32
        %dma_start3A_818 = tpu.memref_slice %arg6[%dma_start3A_815, %dma_start3A_816, %dma_start3A_817] : memref<4x256x64xf32, #tpu.memory_space<vmem>> -> memref<1x128x64xf32, #tpu.memory_space<vmem>>
        %dma_start3A_819 = tpu.memref_squeeze %dma_start3A_818 : memref<1x128x64xf32, #tpu.memory_space<vmem>> -> memref<128x64xf32, #tpu.memory_space<vmem>>
        %dma_start3A_820 = arith.constant 0 : i32
        %dma_start3A_821 = tpu.memref_slice %arg5[%add3A_814, %dma_start3A_820] : memref<200x128xi32, #tpu.memory_space<vmem>> -> memref<1x128xi32, #tpu.memory_space<vmem>>
        %dma_start3A_822 = tpu.memref_squeeze %dma_start3A_821 : memref<1x128xi32, #tpu.memory_space<vmem>> -> memref<128xi32, #tpu.memory_space<vmem>>
        %dma_start3A_823 = arith.constant 0 : i32
        %dma_start3A_824 = arith.constant 0 : i32
        %dma_start3A_825 = tpu.memref_slice %arg2[%dma_start3A_823, %dma_start3A_824] : memref<100000x64xf32, #tpu.memory_space<hbm>> -> memref<100000x64xf32, #tpu.memory_space<hbm>>
        tpu.enqueue_indirect_dma source(%dma_start3A_825 : memref<100000x64xf32, #tpu.memory_space<hbm>>) target(%dma_start3A_819 : memref<128x64xf32, #tpu.memory_space<vmem>>) offsets(%dma_start3A_822 : memref<128xi32, #tpu.memory_space<vmem>>) semaphore(%arg10 : memref<!tpu.dma_semaphore, #tpu.memory_space<semaphore_mem>>)
      } else {
      }
      %mul3A_336 = arith.constant 2 : i32
      %mul3A_337 = arith.muli %add3A_326, %mul3A_336 : i32
      %add3A_338 = arith.constant 0 : i32
      %add3A_339 = arith.addi %mul3A_337, %add3A_338 : i32
      %dma_wait3A_340 = arith.constant 0 : i32
      %dma_wait3A_341 = arith.constant 0 : i32
      %dma_wait3A_342 = arith.constant 0 : i32
      %dma_wait3A_343 = tpu.memref_slice %arg6[%dma_wait3A_340, %dma_wait3A_341, %dma_wait3A_342] : memref<4x256x64xf32, #tpu.memory_space<vmem>> -> memref<1x128x64xf32, #tpu.memory_space<vmem>>
      %dma_wait3A_344 = tpu.memref_squeeze %dma_wait3A_343 : memref<1x128x64xf32, #tpu.memory_space<vmem>> -> memref<128x64xf32, #tpu.memory_space<vmem>>
      %dma_wait3A_345 = arith.constant 0 : i32
      %dma_wait3A_346 = tpu.memref_slice %arg5[%add3A_339, %dma_wait3A_345] : memref<200x128xi32, #tpu.memory_space<vmem>> -> memref<1x128xi32, #tpu.memory_space<vmem>>
      %dma_wait3A_347 = tpu.memref_squeeze %dma_wait3A_346 : memref<1x128xi32, #tpu.memory_space<vmem>> -> memref<128xi32, #tpu.memory_space<vmem>>
      %dma_wait3A_348 = arith.constant 0 : i32
      %dma_wait3A_349 = arith.constant 0 : i32
      %dma_wait3A_350 = tpu.memref_slice %arg2[%dma_wait3A_348, %dma_wait3A_349] : memref<100000x64xf32, #tpu.memory_space<hbm>> -> memref<100000x64xf32, #tpu.memory_space<hbm>>
      tpu.wait_indirect_dma semaphore(%arg7 : memref<!tpu.dma_semaphore, #tpu.memory_space<semaphore_mem>>) src(%dma_wait3A_350 : memref<100000x64xf32, #tpu.memory_space<hbm>>) dst(%dma_wait3A_344 : memref<128x64xf32, #tpu.memory_space<vmem>>)
      %mul3A_351 = arith.constant 2 : i32
      %mul3A_352 = arith.muli %add3A_326, %mul3A_351 : i32
      %add3A_353 = arith.constant 1 : i32
      %add3A_354 = arith.addi %mul3A_352, %add3A_353 : i32
      %dma_wait3A_355 = arith.constant 0 : i32
      %dma_wait3A_356 = arith.constant 128 : i32
      %dma_wait3A_357 = arith.constant 0 : i32
      %dma_wait3A_358 = tpu.memref_slice %arg6[%dma_wait3A_355, %dma_wait3A_356, %dma_wait3A_357] : memref<4x256x64xf32, #tpu.memory_space<vmem>> -> memref<1x128x64xf32, #tpu.memory_space<vmem>>
      %dma_wait3A_359 = tpu.memref_squeeze %dma_wait3A_358 : memref<1x128x64xf32, #tpu.memory_space<vmem>> -> memref<128x64xf32, #tpu.memory_space<vmem>>
      %dma_wait3A_360 = arith.constant 0 : i32
      %dma_wait3A_361 = tpu.memref_slice %arg5[%add3A_354, %dma_wait3A_360] : memref<200x128xi32, #tpu.memory_space<vmem>> -> memref<1x128xi32, #tpu.memory_space<vmem>>
      %dma_wait3A_362 = tpu.memref_squeeze %dma_wait3A_361 : memref<1x128xi32, #tpu.memory_space<vmem>> -> memref<128xi32, #tpu.memory_space<vmem>>
      %dma_wait3A_363 = arith.constant 0 : i32
      %dma_wait3A_364 = arith.constant 0 : i32
      %dma_wait3A_365 = tpu.memref_slice %arg2[%dma_wait3A_363, %dma_wait3A_364] : memref<100000x64xf32, #tpu.memory_space<hbm>> -> memref<100000x64xf32, #tpu.memory_space<hbm>>
      tpu.wait_indirect_dma semaphore(%arg7 : memref<!tpu.dma_semaphore, #tpu.memory_space<semaphore_mem>>) src(%dma_wait3A_365 : memref<100000x64xf32, #tpu.memory_space<hbm>>) dst(%dma_wait3A_359 : memref<128x64xf32, #tpu.memory_space<vmem>>)
      %mul3A_366 = arith.constant 256 : i32
      %mul3A_367 = arith.muli %add3A_326, %mul3A_366 : i32
      %add3A_368 = arith.addi %mul3A_2, %mul3A_367 : i32
      %jit3A_369 = arith.constant 16384 : i32
      %div3A_370 = arith.divsi %add3A_368, %jit3A_369 : i32
      %sign3A_371 = arith.constant 0 : i32
      %sign3A_372 = arith.cmpi sgt, %add3A_368, %sign3A_371 : i32
      %sign3A_373 = arith.extui %sign3A_372 : i1 to i32
      %sign3A_374 = arith.constant 0 : i32
      %sign3A_375 = arith.cmpi slt, %add3A_368, %sign3A_374 : i32
      %sign3A_376 = arith.extui %sign3A_375 : i1 to i32
      %sign3A_377 = arith.subi %sign3A_373, %sign3A_376 : i32
      %sign3A_378 = arith.constant 0 : i32
      %sign3A_379 = arith.cmpi sgt, %jit3A_369, %sign3A_378 : i32
      %sign3A_380 = arith.extui %sign3A_379 : i1 to i32
      %sign3A_381 = arith.constant 0 : i32
      %sign3A_382 = arith.cmpi slt, %jit3A_369, %sign3A_381 : i32
      %sign3A_383 = arith.extui %sign3A_382 : i1 to i32
      %sign3A_384 = arith.subi %sign3A_380, %sign3A_383 : i32
      %ne3A_385 = arith.cmpi ne, %sign3A_377, %sign3A_384 : i32
      %rem3A_386 = arith.remsi %add3A_368, %jit3A_369 : i32
      %ne3A_387 = arith.constant 0 : i32
      %ne3A_388 = arith.cmpi ne, %rem3A_386, %ne3A_387 : i32
      %and3A_389 = arith.andi %ne3A_385, %ne3A_388 : i1
      %sub3A_390 = arith.constant 1 : i32
      %sub3A_391 = arith.subi %div3A_370, %sub3A_390 : i32
      %select_n3A_392 = arith.select %and3A_389, %sub3A_391, %div3A_370 : i32
      %jit3A_393 = arith.constant 16384 : i32
      %eq3A_394 = arith.constant 0 : i32
      %eq3A_395 = arith.cmpi eq, %jit3A_393, %eq3A_394 : i32
      %jit3A_396 = arith.constant 1 : i32
      %select_n3A_397 = arith.select %eq3A_395, %jit3A_396, %jit3A_393 : i32
      %rem3A_398 = arith.remsi %add3A_368, %select_n3A_397 : i32
      %ne3A_399 = arith.constant 0 : i32
      %ne3A_400 = arith.cmpi ne, %rem3A_398, %ne3A_399 : i32
      %lt3A_401 = arith.constant 0 : i32
      %lt3A_402 = arith.cmpi slt, %rem3A_398, %lt3A_401 : i32
      %lt3A_403 = arith.constant 0 : i32
      %lt3A_404 = arith.cmpi slt, %select_n3A_397, %lt3A_403 : i32
      %ne3A_405 = arith.xori %lt3A_402, %lt3A_404 : i1
      %and3A_406 = arith.andi %ne3A_405, %ne3A_400 : i1
      %add3A_407 = arith.addi %rem3A_398, %select_n3A_397 : i32
      %select_n3A_408 = arith.select %and3A_406, %add3A_407, %rem3A_398 : i32
      %dma_start3A_409 = arith.constant 0 : i32
      %dma_start3A_410 = arith.constant 0 : i32
      %dma_start3A_411 = arith.constant 0 : i32
      %dma_start3A_412 = tpu.memref_slice %arg6[%dma_start3A_409, %dma_start3A_410, %dma_start3A_411] : memref<4x256x64xf32, #tpu.memory_space<vmem>> -> memref<1x256x64xf32, #tpu.memory_space<vmem>>
      %dma_start3A_413 = tpu.memref_squeeze %dma_start3A_412 : memref<1x256x64xf32, #tpu.memory_space<vmem>> -> memref<256x64xf32, #tpu.memory_space<vmem>>
      %dma_start3A_414 = arith.constant 0 : i32
      %dma_start3A_415 = tpu.memref_slice %arg4[%select_n3A_392, %select_n3A_408, %dma_start3A_414] : memref<50x16384x128xf32, #tpu.memory_space<hbm>> -> memref<1x256x64xf32, #tpu.memory_space<hbm>>
      %dma_start3A_416 = tpu.memref_squeeze %dma_start3A_415 : memref<1x256x64xf32, #tpu.memory_space<hbm>> -> memref<256x64xf32, #tpu.memory_space<hbm>>
      %dma_start3A_417 = arith.constant 0 : i32
      %dma_start3A_418 = tpu.memref_slice %arg4[%select_n3A_392, %select_n3A_408, %dma_start3A_417] : memref<50x16384x128xf32, #tpu.memory_space<hbm>> -> memref<1x256x64xf32, #tpu.memory_space<hbm>>
      %dma_start3A_419 = tpu.memref_squeeze %dma_start3A_418 : memref<1x256x64xf32, #tpu.memory_space<hbm>> -> memref<256x64xf32, #tpu.memory_space<hbm>>
      %dma_start3A_420 = arith.constant 0 : i32
      %dma_start3A_421 = arith.constant 0 : i32
      %dma_start3A_422 = tpu.memref_slice %arg6[%dma_start3A_409, %dma_start3A_420, %dma_start3A_421] : memref<4x256x64xf32, #tpu.memory_space<vmem>> -> memref<1x256x64xf32, #tpu.memory_space<vmem>>
      %dma_start3A_423 = tpu.memref_squeeze %dma_start3A_422 : memref<1x256x64xf32, #tpu.memory_space<vmem>> -> memref<256x64xf32, #tpu.memory_space<vmem>>
      tpu.enqueue_dma source(%dma_start3A_423 : memref<256x64xf32, #tpu.memory_space<vmem>>) target(%dma_start3A_419 : memref<256x64xf32, #tpu.memory_space<hbm>>) target_semaphore(%arg11 : memref<!tpu.dma_semaphore, #tpu.memory_space<semaphore_mem>>)
      %mul3A_424 = arith.constant 4 : i32
      %mul3A_425 = arith.muli %scan3A_322, %mul3A_424 : i32
      %add3A_426 = arith.constant 1 : i32
      %add3A_427 = arith.addi %mul3A_425, %add3A_426 : i32
      %sub3A_428 = arith.constant 1 : i32
      %sub3A_429 = arith.subi %add3A_427, %sub3A_428 : i32
      %add3A_430 = arith.constant 4 : i32
      %add3A_431 = arith.addi %sub3A_429, %add3A_430 : i32
      %ge3A_432 = arith.constant 1 : i32
      %ge3A_433 = arith.cmpi sge, %add3A_427, %ge3A_432 : i32
      %lt3A_434 = arith.constant 100 : i32
      %lt3A_435 = arith.cmpi slt, %add3A_431, %lt3A_434 : i32
      %and3A_436 = arith.andi %ge3A_433, %lt3A_435 : i1
      %convert_element_type3A_437 = arith.extui %and3A_436 : i1 to i32
      %cond3A_438 = arith.constant 0 : i32
      %cond3A_439 = arith.cmpi ne, %convert_element_type3A_437, %cond3A_438 : i32
      scf.if %cond3A_439 {
        %sub3A_736 = arith.constant 4 : i32
        %sub3A_737 = arith.subi %add3A_431, %sub3A_736 : i32
        %mul3A_738 = arith.constant 256 : i32
        %mul3A_739 = arith.muli %sub3A_737, %mul3A_738 : i32
        %add3A_740 = arith.addi %mul3A_2, %mul3A_739 : i32
        %jit3A_741 = arith.constant 16384 : i32
        %div3A_742 = arith.divsi %add3A_740, %jit3A_741 : i32
        %sign3A_743 = arith.constant 0 : i32
        %sign3A_744 = arith.cmpi sgt, %add3A_740, %sign3A_743 : i32
        %sign3A_745 = arith.extui %sign3A_744 : i1 to i32
        %sign3A_746 = arith.constant 0 : i32
        %sign3A_747 = arith.cmpi slt, %add3A_740, %sign3A_746 : i32
        %sign3A_748 = arith.extui %sign3A_747 : i1 to i32
        %sign3A_749 = arith.subi %sign3A_745, %sign3A_748 : i32
        %sign3A_750 = arith.constant 0 : i32
        %sign3A_751 = arith.cmpi sgt, %jit3A_741, %sign3A_750 : i32
        %sign3A_752 = arith.extui %sign3A_751 : i1 to i32
        %sign3A_753 = arith.constant 0 : i32
        %sign3A_754 = arith.cmpi slt, %jit3A_741, %sign3A_753 : i32
        %sign3A_755 = arith.extui %sign3A_754 : i1 to i32
        %sign3A_756 = arith.subi %sign3A_752, %sign3A_755 : i32
        %ne3A_757 = arith.cmpi ne, %sign3A_749, %sign3A_756 : i32
        %rem3A_758 = arith.remsi %add3A_740, %jit3A_741 : i32
        %ne3A_759 = arith.constant 0 : i32
        %ne3A_760 = arith.cmpi ne, %rem3A_758, %ne3A_759 : i32
        %and3A_761 = arith.andi %ne3A_757, %ne3A_760 : i1
        %sub3A_762 = arith.constant 1 : i32
        %sub3A_763 = arith.subi %div3A_742, %sub3A_762 : i32
        %select_n3A_764 = arith.select %and3A_761, %sub3A_763, %div3A_742 : i32
        %jit3A_765 = arith.constant 16384 : i32
        %eq3A_766 = arith.constant 0 : i32
        %eq3A_767 = arith.cmpi eq, %jit3A_765, %eq3A_766 : i32
        %jit3A_768 = arith.constant 1 : i32
        %select_n3A_769 = arith.select %eq3A_767, %jit3A_768, %jit3A_765 : i32
        %rem3A_770 = arith.remsi %add3A_740, %select_n3A_769 : i32
        %ne3A_771 = arith.constant 0 : i32
        %ne3A_772 = arith.cmpi ne, %rem3A_770, %ne3A_771 : i32
        %lt3A_773 = arith.constant 0 : i32
        %lt3A_774 = arith.cmpi slt, %rem3A_770, %lt3A_773 : i32
        %lt3A_775 = arith.constant 0 : i32
        %lt3A_776 = arith.cmpi slt, %select_n3A_769, %lt3A_775 : i32
        %ne3A_777 = arith.xori %lt3A_774, %lt3A_776 : i1
        %and3A_778 = arith.andi %ne3A_777, %ne3A_772 : i1
        %add3A_779 = arith.addi %rem3A_770, %select_n3A_769 : i32
        %select_n3A_780 = arith.select %and3A_778, %add3A_779, %rem3A_770 : i32
        %dma_wait3A_781 = arith.constant 0 : i32
        %dma_wait3A_782 = arith.constant 0 : i32
        %dma_wait3A_783 = arith.constant 0 : i32
        %dma_wait3A_784 = tpu.memref_slice %arg6[%dma_wait3A_781, %dma_wait3A_782, %dma_wait3A_783] : memref<4x256x64xf32, #tpu.memory_space<vmem>> -> memref<1x256x64xf32, #tpu.memory_space<vmem>>
        %dma_wait3A_785 = tpu.memref_squeeze %dma_wait3A_784 : memref<1x256x64xf32, #tpu.memory_space<vmem>> -> memref<256x64xf32, #tpu.memory_space<vmem>>
        %dma_wait3A_786 = arith.constant 0 : i32
        %dma_wait3A_787 = tpu.memref_slice %arg4[%select_n3A_764, %select_n3A_780, %dma_wait3A_786] : memref<50x16384x128xf32, #tpu.memory_space<hbm>> -> memref<1x256x64xf32, #tpu.memory_space<hbm>>
        %dma_wait3A_788 = tpu.memref_squeeze %dma_wait3A_787 : memref<1x256x64xf32, #tpu.memory_space<hbm>> -> memref<256x64xf32, #tpu.memory_space<hbm>>
        %dma_wait3A_789 = arith.constant 0 : i32
        %dma_wait3A_790 = tpu.memref_slice %arg4[%select_n3A_764, %select_n3A_780, %dma_wait3A_789] : memref<50x16384x128xf32, #tpu.memory_space<hbm>> -> memref<1x256x64xf32, #tpu.memory_space<hbm>>
        %dma_wait3A_791 = tpu.memref_squeeze %dma_wait3A_790 : memref<1x256x64xf32, #tpu.memory_space<hbm>> -> memref<256x64xf32, #tpu.memory_space<hbm>>
        %dma_wait3A_792 = arith.constant 0 : i32
        %dma_wait3A_793 = arith.constant 0 : i32
        %dma_wait3A_794 = tpu.memref_slice %arg6[%dma_wait3A_781, %dma_wait3A_792, %dma_wait3A_793] : memref<4x256x64xf32, #tpu.memory_space<vmem>> -> memref<1x256x64xf32, #tpu.memory_space<vmem>>
        %dma_wait3A_795 = tpu.memref_squeeze %dma_wait3A_794 : memref<1x256x64xf32, #tpu.memory_space<vmem>> -> memref<256x64xf32, #tpu.memory_space<vmem>>
        tpu.wait_dma2 semaphore(%arg11 : memref<!tpu.dma_semaphore, #tpu.memory_space<semaphore_mem>>) src(%dma_wait3A_795 : memref<256x64xf32, #tpu.memory_space<vmem>>) dst(%dma_wait3A_791 : memref<256x64xf32, #tpu.memory_space<hbm>>)
        %mul3A_796 = arith.constant 2 : i32
        %mul3A_797 = arith.muli %add3A_431, %mul3A_796 : i32
        %add3A_798 = arith.constant 0 : i32
        %add3A_799 = arith.addi %mul3A_797, %add3A_798 : i32
        %dma_start3A_800 = arith.constant 0 : i32
        %dma_start3A_801 = arith.constant 0 : i32
        %dma_start3A_802 = arith.constant 0 : i32
        %dma_start3A_803 = tpu.memref_slice %arg6[%dma_start3A_800, %dma_start3A_801, %dma_start3A_802] : memref<4x256x64xf32, #tpu.memory_space<vmem>> -> memref<1x128x64xf32, #tpu.memory_space<vmem>>
        %dma_start3A_804 = tpu.memref_squeeze %dma_start3A_803 : memref<1x128x64xf32, #tpu.memory_space<vmem>> -> memref<128x64xf32, #tpu.memory_space<vmem>>
        %dma_start3A_805 = arith.constant 0 : i32
        %dma_start3A_806 = tpu.memref_slice %arg5[%add3A_799, %dma_start3A_805] : memref<200x128xi32, #tpu.memory_space<vmem>> -> memref<1x128xi32, #tpu.memory_space<vmem>>
        %dma_start3A_807 = tpu.memref_squeeze %dma_start3A_806 : memref<1x128xi32, #tpu.memory_space<vmem>> -> memref<128xi32, #tpu.memory_space<vmem>>
        %dma_start3A_808 = arith.constant 0 : i32
        %dma_start3A_809 = arith.constant 0 : i32
        %dma_start3A_810 = tpu.memref_slice %arg2[%dma_start3A_808, %dma_start3A_809] : memref<100000x64xf32, #tpu.memory_space<hbm>> -> memref<100000x64xf32, #tpu.memory_space<hbm>>
        tpu.enqueue_indirect_dma source(%dma_start3A_810 : memref<100000x64xf32, #tpu.memory_space<hbm>>) target(%dma_start3A_804 : memref<128x64xf32, #tpu.memory_space<vmem>>) offsets(%dma_start3A_807 : memref<128xi32, #tpu.memory_space<vmem>>) semaphore(%arg7 : memref<!tpu.dma_semaphore, #tpu.memory_space<semaphore_mem>>)
        %mul3A_811 = arith.constant 2 : i32
        %mul3A_812 = arith.muli %add3A_431, %mul3A_811 : i32
        %add3A_813 = arith.constant 1 : i32
        %add3A_814 = arith.addi %mul3A_812, %add3A_813 : i32
        %dma_start3A_815 = arith.constant 0 : i32
        %dma_start3A_816 = arith.constant 128 : i32
        %dma_start3A_817 = arith.constant 0 : i32
        %dma_start3A_818 = tpu.memref_slice %arg6[%dma_start3A_815, %dma_start3A_816, %dma_start3A_817] : memref<4x256x64xf32, #tpu.memory_space<vmem>> -> memref<1x128x64xf32, #tpu.memory_space<vmem>>
        %dma_start3A_819 = tpu.memref_squeeze %dma_start3A_818 : memref<1x128x64xf32, #tpu.memory_space<vmem>> -> memref<128x64xf32, #tpu.memory_space<vmem>>
        %dma_start3A_820 = arith.constant 0 : i32
        %dma_start3A_821 = tpu.memref_slice %arg5[%add3A_814, %dma_start3A_820] : memref<200x128xi32, #tpu.memory_space<vmem>> -> memref<1x128xi32, #tpu.memory_space<vmem>>
        %dma_start3A_822 = tpu.memref_squeeze %dma_start3A_821 : memref<1x128xi32, #tpu.memory_space<vmem>> -> memref<128xi32, #tpu.memory_space<vmem>>
        %dma_start3A_823 = arith.constant 0 : i32
        %dma_start3A_824 = arith.constant 0 : i32
        %dma_start3A_825 = tpu.memref_slice %arg2[%dma_start3A_823, %dma_start3A_824] : memref<100000x64xf32, #tpu.memory_space<hbm>> -> memref<100000x64xf32, #tpu.memory_space<hbm>>
        tpu.enqueue_indirect_dma source(%dma_start3A_825 : memref<100000x64xf32, #tpu.memory_space<hbm>>) target(%dma_start3A_819 : memref<128x64xf32, #tpu.memory_space<vmem>>) offsets(%dma_start3A_822 : memref<128xi32, #tpu.memory_space<vmem>>) semaphore(%arg7 : memref<!tpu.dma_semaphore, #tpu.memory_space<semaphore_mem>>)
      } else {
      }
      %mul3A_440 = arith.constant 2 : i32
      %mul3A_441 = arith.muli %add3A_427, %mul3A_440 : i32
      %add3A_442 = arith.constant 0 : i32
      %add3A_443 = arith.addi %mul3A_441, %add3A_442 : i32
      %dma_wait3A_444 = arith.constant 1 : i32
      %dma_wait3A_445 = arith.constant 0 : i32
      %dma_wait3A_446 = arith.constant 0 : i32
      %dma_wait3A_447 = tpu.memref_slice %arg6[%dma_wait3A_444, %dma_wait3A_445, %dma_wait3A_446] : memref<4x256x64xf32, #tpu.memory_space<vmem>> -> memref<1x128x64xf32, #tpu.memory_space<vmem>>
      %dma_wait3A_448 = tpu.memref_squeeze %dma_wait3A_447 : memref<1x128x64xf32, #tpu.memory_space<vmem>> -> memref<128x64xf32, #tpu.memory_space<vmem>>
      %dma_wait3A_449 = arith.constant 0 : i32
      %dma_wait3A_450 = tpu.memref_slice %arg5[%add3A_443, %dma_wait3A_449] : memref<200x128xi32, #tpu.memory_space<vmem>> -> memref<1x128xi32, #tpu.memory_space<vmem>>
      %dma_wait3A_451 = tpu.memref_squeeze %dma_wait3A_450 : memref<1x128xi32, #tpu.memory_space<vmem>> -> memref<128xi32, #tpu.memory_space<vmem>>
      %dma_wait3A_452 = arith.constant 0 : i32
      %dma_wait3A_453 = arith.constant 0 : i32
      %dma_wait3A_454 = tpu.memref_slice %arg2[%dma_wait3A_452, %dma_wait3A_453] : memref<100000x64xf32, #tpu.memory_space<hbm>> -> memref<100000x64xf32, #tpu.memory_space<hbm>>
      tpu.wait_indirect_dma semaphore(%arg8 : memref<!tpu.dma_semaphore, #tpu.memory_space<semaphore_mem>>) src(%dma_wait3A_454 : memref<100000x64xf32, #tpu.memory_space<hbm>>) dst(%dma_wait3A_448 : memref<128x64xf32, #tpu.memory_space<vmem>>)
      %mul3A_455 = arith.constant 2 : i32
      %mul3A_456 = arith.muli %add3A_427, %mul3A_455 : i32
      %add3A_457 = arith.constant 1 : i32
      %add3A_458 = arith.addi %mul3A_456, %add3A_457 : i32
      %dma_wait3A_459 = arith.constant 1 : i32
      %dma_wait3A_460 = arith.constant 128 : i32
      %dma_wait3A_461 = arith.constant 0 : i32
      %dma_wait3A_462 = tpu.memref_slice %arg6[%dma_wait3A_459, %dma_wait3A_460, %dma_wait3A_461] : memref<4x256x64xf32, #tpu.memory_space<vmem>> -> memref<1x128x64xf32, #tpu.memory_space<vmem>>
      %dma_wait3A_463 = tpu.memref_squeeze %dma_wait3A_462 : memref<1x128x64xf32, #tpu.memory_space<vmem>> -> memref<128x64xf32, #tpu.memory_space<vmem>>
      %dma_wait3A_464 = arith.constant 0 : i32
      %dma_wait3A_465 = tpu.memref_slice %arg5[%add3A_458, %dma_wait3A_464] : memref<200x128xi32, #tpu.memory_space<vmem>> -> memref<1x128xi32, #tpu.memory_space<vmem>>
      %dma_wait3A_466 = tpu.memref_squeeze %dma_wait3A_465 : memref<1x128xi32, #tpu.memory_space<vmem>> -> memref<128xi32, #tpu.memory_space<vmem>>
      %dma_wait3A_467 = arith.constant 0 : i32
      %dma_wait3A_468 = arith.constant 0 : i32
      %dma_wait3A_469 = tpu.memref_slice %arg2[%dma_wait3A_467, %dma_wait3A_468] : memref<100000x64xf32, #tpu.memory_space<hbm>> -> memref<100000x64xf32, #tpu.memory_space<hbm>>
      tpu.wait_indirect_dma semaphore(%arg8 : memref<!tpu.dma_semaphore, #tpu.memory_space<semaphore_mem>>) src(%dma_wait3A_469 : memref<100000x64xf32, #tpu.memory_space<hbm>>) dst(%dma_wait3A_463 : memref<128x64xf32, #tpu.memory_space<vmem>>)
      %mul3A_470 = arith.constant 256 : i32
      %mul3A_471 = arith.muli %add3A_427, %mul3A_470 : i32
      %add3A_472 = arith.addi %mul3A_2, %mul3A_471 : i32
      %jit3A_473 = arith.constant 16384 : i32
      %div3A_474 = arith.divsi %add3A_472, %jit3A_473 : i32
      %sign3A_475 = arith.constant 0 : i32
      %sign3A_476 = arith.cmpi sgt, %add3A_472, %sign3A_475 : i32
      %sign3A_477 = arith.extui %sign3A_476 : i1 to i32
      %sign3A_478 = arith.constant 0 : i32
      %sign3A_479 = arith.cmpi slt, %add3A_472, %sign3A_478 : i32
      %sign3A_480 = arith.extui %sign3A_479 : i1 to i32
      %sign3A_481 = arith.subi %sign3A_477, %sign3A_480 : i32
      %sign3A_482 = arith.constant 0 : i32
      %sign3A_483 = arith.cmpi sgt, %jit3A_473, %sign3A_482 : i32
      %sign3A_484 = arith.extui %sign3A_483 : i1 to i32
      %sign3A_485 = arith.constant 0 : i32
      %sign3A_486 = arith.cmpi slt, %jit3A_473, %sign3A_485 : i32
      %sign3A_487 = arith.extui %sign3A_486 : i1 to i32
      %sign3A_488 = arith.subi %sign3A_484, %sign3A_487 : i32
      %ne3A_489 = arith.cmpi ne, %sign3A_481, %sign3A_488 : i32
      %rem3A_490 = arith.remsi %add3A_472, %jit3A_473 : i32
      %ne3A_491 = arith.constant 0 : i32
      %ne3A_492 = arith.cmpi ne, %rem3A_490, %ne3A_491 : i32
      %and3A_493 = arith.andi %ne3A_489, %ne3A_492 : i1
      %sub3A_494 = arith.constant 1 : i32
      %sub3A_495 = arith.subi %div3A_474, %sub3A_494 : i32
      %select_n3A_496 = arith.select %and3A_493, %sub3A_495, %div3A_474 : i32
      %jit3A_497 = arith.constant 16384 : i32
      %eq3A_498 = arith.constant 0 : i32
      %eq3A_499 = arith.cmpi eq, %jit3A_497, %eq3A_498 : i32
      %jit3A_500 = arith.constant 1 : i32
      %select_n3A_501 = arith.select %eq3A_499, %jit3A_500, %jit3A_497 : i32
      %rem3A_502 = arith.remsi %add3A_472, %select_n3A_501 : i32
      %ne3A_503 = arith.constant 0 : i32
      %ne3A_504 = arith.cmpi ne, %rem3A_502, %ne3A_503 : i32
      %lt3A_505 = arith.constant 0 : i32
      %lt3A_506 = arith.cmpi slt, %rem3A_502, %lt3A_505 : i32
      %lt3A_507 = arith.constant 0 : i32
      %lt3A_508 = arith.cmpi slt, %select_n3A_501, %lt3A_507 : i32
      %ne3A_509 = arith.xori %lt3A_506, %lt3A_508 : i1
      %and3A_510 = arith.andi %ne3A_509, %ne3A_504 : i1
      %add3A_511 = arith.addi %rem3A_502, %select_n3A_501 : i32
      %select_n3A_512 = arith.select %and3A_510, %add3A_511, %rem3A_502 : i32
      %dma_start3A_513 = arith.constant 1 : i32
      %dma_start3A_514 = arith.constant 0 : i32
      %dma_start3A_515 = arith.constant 0 : i32
      %dma_start3A_516 = tpu.memref_slice %arg6[%dma_start3A_513, %dma_start3A_514, %dma_start3A_515] : memref<4x256x64xf32, #tpu.memory_space<vmem>> -> memref<1x256x64xf32, #tpu.memory_space<vmem>>
      %dma_start3A_517 = tpu.memref_squeeze %dma_start3A_516 : memref<1x256x64xf32, #tpu.memory_space<vmem>> -> memref<256x64xf32, #tpu.memory_space<vmem>>
      %dma_start3A_518 = arith.constant 0 : i32
      %dma_start3A_519 = tpu.memref_slice %arg4[%select_n3A_496, %select_n3A_512, %dma_start3A_518] : memref<50x16384x128xf32, #tpu.memory_space<hbm>> -> memref<1x256x64xf32, #tpu.memory_space<hbm>>
      %dma_start3A_520 = tpu.memref_squeeze %dma_start3A_519 : memref<1x256x64xf32, #tpu.memory_space<hbm>> -> memref<256x64xf32, #tpu.memory_space<hbm>>
      %dma_start3A_521 = arith.constant 0 : i32
      %dma_start3A_522 = tpu.memref_slice %arg4[%select_n3A_496, %select_n3A_512, %dma_start3A_521] : memref<50x16384x128xf32, #tpu.memory_space<hbm>> -> memref<1x256x64xf32, #tpu.memory_space<hbm>>
      %dma_start3A_523 = tpu.memref_squeeze %dma_start3A_522 : memref<1x256x64xf32, #tpu.memory_space<hbm>> -> memref<256x64xf32, #tpu.memory_space<hbm>>
      %dma_start3A_524 = arith.constant 0 : i32
      %dma_start3A_525 = arith.constant 0 : i32
      %dma_start3A_526 = tpu.memref_slice %arg6[%dma_start3A_513, %dma_start3A_524, %dma_start3A_525] : memref<4x256x64xf32, #tpu.memory_space<vmem>> -> memref<1x256x64xf32, #tpu.memory_space<vmem>>
      %dma_start3A_527 = tpu.memref_squeeze %dma_start3A_526 : memref<1x256x64xf32, #tpu.memory_space<vmem>> -> memref<256x64xf32, #tpu.memory_space<vmem>>
      tpu.enqueue_dma source(%dma_start3A_527 : memref<256x64xf32, #tpu.memory_space<vmem>>) target(%dma_start3A_523 : memref<256x64xf32, #tpu.memory_space<hbm>>) target_semaphore(%arg12 : memref<!tpu.dma_semaphore, #tpu.memory_space<semaphore_mem>>)
      %mul3A_528 = arith.constant 4 : i32
      %mul3A_529 = arith.muli %scan3A_322, %mul3A_528 : i32
      %add3A_530 = arith.constant 2 : i32
      %add3A_531 = arith.addi %mul3A_529, %add3A_530 : i32
      %sub3A_532 = arith.constant 1 : i32
      %sub3A_533 = arith.subi %add3A_531, %sub3A_532 : i32
      %add3A_534 = arith.constant 4 : i32
      %add3A_535 = arith.addi %sub3A_533, %add3A_534 : i32
      %ge3A_536 = arith.constant 1 : i32
      %ge3A_537 = arith.cmpi sge, %add3A_531, %ge3A_536 : i32
      %lt3A_538 = arith.constant 100 : i32
      %lt3A_539 = arith.cmpi slt, %add3A_535, %lt3A_538 : i32
      %and3A_540 = arith.andi %ge3A_537, %lt3A_539 : i1
      %convert_element_type3A_541 = arith.extui %and3A_540 : i1 to i32
      %cond3A_542 = arith.constant 0 : i32
      %cond3A_543 = arith.cmpi ne, %convert_element_type3A_541, %cond3A_542 : i32
      scf.if %cond3A_543 {
        %sub3A_736 = arith.constant 4 : i32
        %sub3A_737 = arith.subi %add3A_535, %sub3A_736 : i32
        %mul3A_738 = arith.constant 256 : i32
        %mul3A_739 = arith.muli %sub3A_737, %mul3A_738 : i32
        %add3A_740 = arith.addi %mul3A_2, %mul3A_739 : i32
        %jit3A_741 = arith.constant 16384 : i32
        %div3A_742 = arith.divsi %add3A_740, %jit3A_741 : i32
        %sign3A_743 = arith.constant 0 : i32
        %sign3A_744 = arith.cmpi sgt, %add3A_740, %sign3A_743 : i32
        %sign3A_745 = arith.extui %sign3A_744 : i1 to i32
        %sign3A_746 = arith.constant 0 : i32
        %sign3A_747 = arith.cmpi slt, %add3A_740, %sign3A_746 : i32
        %sign3A_748 = arith.extui %sign3A_747 : i1 to i32
        %sign3A_749 = arith.subi %sign3A_745, %sign3A_748 : i32
        %sign3A_750 = arith.constant 0 : i32
        %sign3A_751 = arith.cmpi sgt, %jit3A_741, %sign3A_750 : i32
        %sign3A_752 = arith.extui %sign3A_751 : i1 to i32
        %sign3A_753 = arith.constant 0 : i32
        %sign3A_754 = arith.cmpi slt, %jit3A_741, %sign3A_753 : i32
        %sign3A_755 = arith.extui %sign3A_754 : i1 to i32
        %sign3A_756 = arith.subi %sign3A_752, %sign3A_755 : i32
        %ne3A_757 = arith.cmpi ne, %sign3A_749, %sign3A_756 : i32
        %rem3A_758 = arith.remsi %add3A_740, %jit3A_741 : i32
        %ne3A_759 = arith.constant 0 : i32
        %ne3A_760 = arith.cmpi ne, %rem3A_758, %ne3A_759 : i32
        %and3A_761 = arith.andi %ne3A_757, %ne3A_760 : i1
        %sub3A_762 = arith.constant 1 : i32
        %sub3A_763 = arith.subi %div3A_742, %sub3A_762 : i32
        %select_n3A_764 = arith.select %and3A_761, %sub3A_763, %div3A_742 : i32
        %jit3A_765 = arith.constant 16384 : i32
        %eq3A_766 = arith.constant 0 : i32
        %eq3A_767 = arith.cmpi eq, %jit3A_765, %eq3A_766 : i32
        %jit3A_768 = arith.constant 1 : i32
        %select_n3A_769 = arith.select %eq3A_767, %jit3A_768, %jit3A_765 : i32
        %rem3A_770 = arith.remsi %add3A_740, %select_n3A_769 : i32
        %ne3A_771 = arith.constant 0 : i32
        %ne3A_772 = arith.cmpi ne, %rem3A_770, %ne3A_771 : i32
        %lt3A_773 = arith.constant 0 : i32
        %lt3A_774 = arith.cmpi slt, %rem3A_770, %lt3A_773 : i32
        %lt3A_775 = arith.constant 0 : i32
        %lt3A_776 = arith.cmpi slt, %select_n3A_769, %lt3A_775 : i32
        %ne3A_777 = arith.xori %lt3A_774, %lt3A_776 : i1
        %and3A_778 = arith.andi %ne3A_777, %ne3A_772 : i1
        %add3A_779 = arith.addi %rem3A_770, %select_n3A_769 : i32
        %select_n3A_780 = arith.select %and3A_778, %add3A_779, %rem3A_770 : i32
        %dma_wait3A_781 = arith.constant 1 : i32
        %dma_wait3A_782 = arith.constant 0 : i32
        %dma_wait3A_783 = arith.constant 0 : i32
        %dma_wait3A_784 = tpu.memref_slice %arg6[%dma_wait3A_781, %dma_wait3A_782, %dma_wait3A_783] : memref<4x256x64xf32, #tpu.memory_space<vmem>> -> memref<1x256x64xf32, #tpu.memory_space<vmem>>
        %dma_wait3A_785 = tpu.memref_squeeze %dma_wait3A_784 : memref<1x256x64xf32, #tpu.memory_space<vmem>> -> memref<256x64xf32, #tpu.memory_space<vmem>>
        %dma_wait3A_786 = arith.constant 0 : i32
        %dma_wait3A_787 = tpu.memref_slice %arg4[%select_n3A_764, %select_n3A_780, %dma_wait3A_786] : memref<50x16384x128xf32, #tpu.memory_space<hbm>> -> memref<1x256x64xf32, #tpu.memory_space<hbm>>
        %dma_wait3A_788 = tpu.memref_squeeze %dma_wait3A_787 : memref<1x256x64xf32, #tpu.memory_space<hbm>> -> memref<256x64xf32, #tpu.memory_space<hbm>>
        %dma_wait3A_789 = arith.constant 0 : i32
        %dma_wait3A_790 = tpu.memref_slice %arg4[%select_n3A_764, %select_n3A_780, %dma_wait3A_789] : memref<50x16384x128xf32, #tpu.memory_space<hbm>> -> memref<1x256x64xf32, #tpu.memory_space<hbm>>
        %dma_wait3A_791 = tpu.memref_squeeze %dma_wait3A_790 : memref<1x256x64xf32, #tpu.memory_space<hbm>> -> memref<256x64xf32, #tpu.memory_space<hbm>>
        %dma_wait3A_792 = arith.constant 0 : i32
        %dma_wait3A_793 = arith.constant 0 : i32
        %dma_wait3A_794 = tpu.memref_slice %arg6[%dma_wait3A_781, %dma_wait3A_792, %dma_wait3A_793] : memref<4x256x64xf32, #tpu.memory_space<vmem>> -> memref<1x256x64xf32, #tpu.memory_space<vmem>>
        %dma_wait3A_795 = tpu.memref_squeeze %dma_wait3A_794 : memref<1x256x64xf32, #tpu.memory_space<vmem>> -> memref<256x64xf32, #tpu.memory_space<vmem>>
        tpu.wait_dma2 semaphore(%arg12 : memref<!tpu.dma_semaphore, #tpu.memory_space<semaphore_mem>>) src(%dma_wait3A_795 : memref<256x64xf32, #tpu.memory_space<vmem>>) dst(%dma_wait3A_791 : memref<256x64xf32, #tpu.memory_space<hbm>>)
        %mul3A_796 = arith.constant 2 : i32
        %mul3A_797 = arith.muli %add3A_535, %mul3A_796 : i32
        %add3A_798 = arith.constant 0 : i32
        %add3A_799 = arith.addi %mul3A_797, %add3A_798 : i32
        %dma_start3A_800 = arith.constant 1 : i32
        %dma_start3A_801 = arith.constant 0 : i32
        %dma_start3A_802 = arith.constant 0 : i32
        %dma_start3A_803 = tpu.memref_slice %arg6[%dma_start3A_800, %dma_start3A_801, %dma_start3A_802] : memref<4x256x64xf32, #tpu.memory_space<vmem>> -> memref<1x128x64xf32, #tpu.memory_space<vmem>>
        %dma_start3A_804 = tpu.memref_squeeze %dma_start3A_803 : memref<1x128x64xf32, #tpu.memory_space<vmem>> -> memref<128x64xf32, #tpu.memory_space<vmem>>
        %dma_start3A_805 = arith.constant 0 : i32
        %dma_start3A_806 = tpu.memref_slice %arg5[%add3A_799, %dma_start3A_805] : memref<200x128xi32, #tpu.memory_space<vmem>> -> memref<1x128xi32, #tpu.memory_space<vmem>>
        %dma_start3A_807 = tpu.memref_squeeze %dma_start3A_806 : memref<1x128xi32, #tpu.memory_space<vmem>> -> memref<128xi32, #tpu.memory_space<vmem>>
        %dma_start3A_808 = arith.constant 0 : i32
        %dma_start3A_809 = arith.constant 0 : i32
        %dma_start3A_810 = tpu.memref_slice %arg2[%dma_start3A_808, %dma_start3A_809] : memref<100000x64xf32, #tpu.memory_space<hbm>> -> memref<100000x64xf32, #tpu.memory_space<hbm>>
        tpu.enqueue_indirect_dma source(%dma_start3A_810 : memref<100000x64xf32, #tpu.memory_space<hbm>>) target(%dma_start3A_804 : memref<128x64xf32, #tpu.memory_space<vmem>>) offsets(%dma_start3A_807 : memref<128xi32, #tpu.memory_space<vmem>>) semaphore(%arg8 : memref<!tpu.dma_semaphore, #tpu.memory_space<semaphore_mem>>)
        %mul3A_811 = arith.constant 2 : i32
        %mul3A_812 = arith.muli %add3A_535, %mul3A_811 : i32
        %add3A_813 = arith.constant 1 : i32
        %add3A_814 = arith.addi %mul3A_812, %add3A_813 : i32
        %dma_start3A_815 = arith.constant 1 : i32
        %dma_start3A_816 = arith.constant 128 : i32
        %dma_start3A_817 = arith.constant 0 : i32
        %dma_start3A_818 = tpu.memref_slice %arg6[%dma_start3A_815, %dma_start3A_816, %dma_start3A_817] : memref<4x256x64xf32, #tpu.memory_space<vmem>> -> memref<1x128x64xf32, #tpu.memory_space<vmem>>
        %dma_start3A_819 = tpu.memref_squeeze %dma_start3A_818 : memref<1x128x64xf32, #tpu.memory_space<vmem>> -> memref<128x64xf32, #tpu.memory_space<vmem>>
        %dma_start3A_820 = arith.constant 0 : i32
        %dma_start3A_821 = tpu.memref_slice %arg5[%add3A_814, %dma_start3A_820] : memref<200x128xi32, #tpu.memory_space<vmem>> -> memref<1x128xi32, #tpu.memory_space<vmem>>
        %dma_start3A_822 = tpu.memref_squeeze %dma_start3A_821 : memref<1x128xi32, #tpu.memory_space<vmem>> -> memref<128xi32, #tpu.memory_space<vmem>>
        %dma_start3A_823 = arith.constant 0 : i32
        %dma_start3A_824 = arith.constant 0 : i32
        %dma_start3A_825 = tpu.memref_slice %arg2[%dma_start3A_823, %dma_start3A_824] : memref<100000x64xf32, #tpu.memory_space<hbm>> -> memref<100000x64xf32, #tpu.memory_space<hbm>>
        tpu.enqueue_indirect_dma source(%dma_start3A_825 : memref<100000x64xf32, #tpu.memory_space<hbm>>) target(%dma_start3A_819 : memref<128x64xf32, #tpu.memory_space<vmem>>) offsets(%dma_start3A_822 : memref<128xi32, #tpu.memory_space<vmem>>) semaphore(%arg8 : memref<!tpu.dma_semaphore, #tpu.memory_space<semaphore_mem>>)
      } else {
      }
      %mul3A_544 = arith.constant 2 : i32
      %mul3A_545 = arith.muli %add3A_531, %mul3A_544 : i32
      %add3A_546 = arith.constant 0 : i32
      %add3A_547 = arith.addi %mul3A_545, %add3A_546 : i32
      %dma_wait3A_548 = arith.constant 2 : i32
      %dma_wait3A_549 = arith.constant 0 : i32
      %dma_wait3A_550 = arith.constant 0 : i32
      %dma_wait3A_551 = tpu.memref_slice %arg6[%dma_wait3A_548, %dma_wait3A_549, %dma_wait3A_550] : memref<4x256x64xf32, #tpu.memory_space<vmem>> -> memref<1x128x64xf32, #tpu.memory_space<vmem>>
      %dma_wait3A_552 = tpu.memref_squeeze %dma_wait3A_551 : memref<1x128x64xf32, #tpu.memory_space<vmem>> -> memref<128x64xf32, #tpu.memory_space<vmem>>
      %dma_wait3A_553 = arith.constant 0 : i32
      %dma_wait3A_554 = tpu.memref_slice %arg5[%add3A_547, %dma_wait3A_553] : memref<200x128xi32, #tpu.memory_space<vmem>> -> memref<1x128xi32, #tpu.memory_space<vmem>>
      %dma_wait3A_555 = tpu.memref_squeeze %dma_wait3A_554 : memref<1x128xi32, #tpu.memory_space<vmem>> -> memref<128xi32, #tpu.memory_space<vmem>>
      %dma_wait3A_556 = arith.constant 0 : i32
      %dma_wait3A_557 = arith.constant 0 : i32
      %dma_wait3A_558 = tpu.memref_slice %arg2[%dma_wait3A_556, %dma_wait3A_557] : memref<100000x64xf32, #tpu.memory_space<hbm>> -> memref<100000x64xf32, #tpu.memory_space<hbm>>
      tpu.wait_indirect_dma semaphore(%arg9 : memref<!tpu.dma_semaphore, #tpu.memory_space<semaphore_mem>>) src(%dma_wait3A_558 : memref<100000x64xf32, #tpu.memory_space<hbm>>) dst(%dma_wait3A_552 : memref<128x64xf32, #tpu.memory_space<vmem>>)
      %mul3A_559 = arith.constant 2 : i32
      %mul3A_560 = arith.muli %add3A_531, %mul3A_559 : i32
      %add3A_561 = arith.constant 1 : i32
      %add3A_562 = arith.addi %mul3A_560, %add3A_561 : i32
      %dma_wait3A_563 = arith.constant 2 : i32
      %dma_wait3A_564 = arith.constant 128 : i32
      %dma_wait3A_565 = arith.constant 0 : i32
      %dma_wait3A_566 = tpu.memref_slice %arg6[%dma_wait3A_563, %dma_wait3A_564, %dma_wait3A_565] : memref<4x256x64xf32, #tpu.memory_space<vmem>> -> memref<1x128x64xf32, #tpu.memory_space<vmem>>
      %dma_wait3A_567 = tpu.memref_squeeze %dma_wait3A_566 : memref<1x128x64xf32, #tpu.memory_space<vmem>> -> memref<128x64xf32, #tpu.memory_space<vmem>>
      %dma_wait3A_568 = arith.constant 0 : i32
      %dma_wait3A_569 = tpu.memref_slice %arg5[%add3A_562, %dma_wait3A_568] : memref<200x128xi32, #tpu.memory_space<vmem>> -> memref<1x128xi32, #tpu.memory_space<vmem>>
      %dma_wait3A_570 = tpu.memref_squeeze %dma_wait3A_569 : memref<1x128xi32, #tpu.memory_space<vmem>> -> memref<128xi32, #tpu.memory_space<vmem>>
      %dma_wait3A_571 = arith.constant 0 : i32
      %dma_wait3A_572 = arith.constant 0 : i32
      %dma_wait3A_573 = tpu.memref_slice %arg2[%dma_wait3A_571, %dma_wait3A_572] : memref<100000x64xf32, #tpu.memory_space<hbm>> -> memref<100000x64xf32, #tpu.memory_space<hbm>>
      tpu.wait_indirect_dma semaphore(%arg9 : memref<!tpu.dma_semaphore, #tpu.memory_space<semaphore_mem>>) src(%dma_wait3A_573 : memref<100000x64xf32, #tpu.memory_space<hbm>>) dst(%dma_wait3A_567 : memref<128x64xf32, #tpu.memory_space<vmem>>)
      %mul3A_574 = arith.constant 256 : i32
      %mul3A_575 = arith.muli %add3A_531, %mul3A_574 : i32
      %add3A_576 = arith.addi %mul3A_2, %mul3A_575 : i32
      %jit3A_577 = arith.constant 16384 : i32
      %div3A_578 = arith.divsi %add3A_576, %jit3A_577 : i32
      %sign3A_579 = arith.constant 0 : i32
      %sign3A_580 = arith.cmpi sgt, %add3A_576, %sign3A_579 : i32
      %sign3A_581 = arith.extui %sign3A_580 : i1 to i32
      %sign3A_582 = arith.constant 0 : i32
      %sign3A_583 = arith.cmpi slt, %add3A_576, %sign3A_582 : i32
      %sign3A_584 = arith.extui %sign3A_583 : i1 to i32
      %sign3A_585 = arith.subi %sign3A_581, %sign3A_584 : i32
      %sign3A_586 = arith.constant 0 : i32
      %sign3A_587 = arith.cmpi sgt, %jit3A_577, %sign3A_586 : i32
      %sign3A_588 = arith.extui %sign3A_587 : i1 to i32
      %sign3A_589 = arith.constant 0 : i32
      %sign3A_590 = arith.cmpi slt, %jit3A_577, %sign3A_589 : i32
      %sign3A_591 = arith.extui %sign3A_590 : i1 to i32
      %sign3A_592 = arith.subi %sign3A_588, %sign3A_591 : i32
      %ne3A_593 = arith.cmpi ne, %sign3A_585, %sign3A_592 : i32
      %rem3A_594 = arith.remsi %add3A_576, %jit3A_577 : i32
      %ne3A_595 = arith.constant 0 : i32
      %ne3A_596 = arith.cmpi ne, %rem3A_594, %ne3A_595 : i32
      %and3A_597 = arith.andi %ne3A_593, %ne3A_596 : i1
      %sub3A_598 = arith.constant 1 : i32
      %sub3A_599 = arith.subi %div3A_578, %sub3A_598 : i32
      %select_n3A_600 = arith.select %and3A_597, %sub3A_599, %div3A_578 : i32
      %jit3A_601 = arith.constant 16384 : i32
      %eq3A_602 = arith.constant 0 : i32
      %eq3A_603 = arith.cmpi eq, %jit3A_601, %eq3A_602 : i32
      %jit3A_604 = arith.constant 1 : i32
      %select_n3A_605 = arith.select %eq3A_603, %jit3A_604, %jit3A_601 : i32
      %rem3A_606 = arith.remsi %add3A_576, %select_n3A_605 : i32
      %ne3A_607 = arith.constant 0 : i32
      %ne3A_608 = arith.cmpi ne, %rem3A_606, %ne3A_607 : i32
      %lt3A_609 = arith.constant 0 : i32
      %lt3A_610 = arith.cmpi slt, %rem3A_606, %lt3A_609 : i32
      %lt3A_611 = arith.constant 0 : i32
      %lt3A_612 = arith.cmpi slt, %select_n3A_605, %lt3A_611 : i32
      %ne3A_613 = arith.xori %lt3A_610, %lt3A_612 : i1
      %and3A_614 = arith.andi %ne3A_613, %ne3A_608 : i1
      %add3A_615 = arith.addi %rem3A_606, %select_n3A_605 : i32
      %select_n3A_616 = arith.select %and3A_614, %add3A_615, %rem3A_606 : i32
      %dma_start3A_617 = arith.constant 2 : i32
      %dma_start3A_618 = arith.constant 0 : i32
      %dma_start3A_619 = arith.constant 0 : i32
      %dma_start3A_620 = tpu.memref_slice %arg6[%dma_start3A_617, %dma_start3A_618, %dma_start3A_619] : memref<4x256x64xf32, #tpu.memory_space<vmem>> -> memref<1x256x64xf32, #tpu.memory_space<vmem>>
      %dma_start3A_621 = tpu.memref_squeeze %dma_start3A_620 : memref<1x256x64xf32, #tpu.memory_space<vmem>> -> memref<256x64xf32, #tpu.memory_space<vmem>>
      %dma_start3A_622 = arith.constant 0 : i32
      %dma_start3A_623 = tpu.memref_slice %arg4[%select_n3A_600, %select_n3A_616, %dma_start3A_622] : memref<50x16384x128xf32, #tpu.memory_space<hbm>> -> memref<1x256x64xf32, #tpu.memory_space<hbm>>
      %dma_start3A_624 = tpu.memref_squeeze %dma_start3A_623 : memref<1x256x64xf32, #tpu.memory_space<hbm>> -> memref<256x64xf32, #tpu.memory_space<hbm>>
      %dma_start3A_625 = arith.constant 0 : i32
      %dma_start3A_626 = tpu.memref_slice %arg4[%select_n3A_600, %select_n3A_616, %dma_start3A_625] : memref<50x16384x128xf32, #tpu.memory_space<hbm>> -> memref<1x256x64xf32, #tpu.memory_space<hbm>>
      %dma_start3A_627 = tpu.memref_squeeze %dma_start3A_626 : memref<1x256x64xf32, #tpu.memory_space<hbm>> -> memref<256x64xf32, #tpu.memory_space<hbm>>
      %dma_start3A_628 = arith.constant 0 : i32
      %dma_start3A_629 = arith.constant 0 : i32
      %dma_start3A_630 = tpu.memref_slice %arg6[%dma_start3A_617, %dma_start3A_628, %dma_start3A_629] : memref<4x256x64xf32, #tpu.memory_space<vmem>> -> memref<1x256x64xf32, #tpu.memory_space<vmem>>
      %dma_start3A_631 = tpu.memref_squeeze %dma_start3A_630 : memref<1x256x64xf32, #tpu.memory_space<vmem>> -> memref<256x64xf32, #tpu.memory_space<vmem>>
      tpu.enqueue_dma source(%dma_start3A_631 : memref<256x64xf32, #tpu.memory_space<vmem>>) target(%dma_start3A_627 : memref<256x64xf32, #tpu.memory_space<hbm>>) target_semaphore(%arg13 : memref<!tpu.dma_semaphore, #tpu.memory_space<semaphore_mem>>)
      %mul3A_632 = arith.constant 4 : i32
      %mul3A_633 = arith.muli %scan3A_322, %mul3A_632 : i32
      %add3A_634 = arith.constant 3 : i32
      %add3A_635 = arith.addi %mul3A_633, %add3A_634 : i32
      %sub3A_636 = arith.constant 1 : i32
      %sub3A_637 = arith.subi %add3A_635, %sub3A_636 : i32
      %add3A_638 = arith.constant 4 : i32
      %add3A_639 = arith.addi %sub3A_637, %add3A_638 : i32
      %ge3A_640 = arith.constant 1 : i32
      %ge3A_641 = arith.cmpi sge, %add3A_635, %ge3A_640 : i32
      %lt3A_642 = arith.constant 100 : i32
      %lt3A_643 = arith.cmpi slt, %add3A_639, %lt3A_642 : i32
      %and3A_644 = arith.andi %ge3A_641, %lt3A_643 : i1
      %convert_element_type3A_645 = arith.extui %and3A_644 : i1 to i32
      %cond3A_646 = arith.constant 0 : i32
      %cond3A_647 = arith.cmpi ne, %convert_element_type3A_645, %cond3A_646 : i32
      scf.if %cond3A_647 {
        %sub3A_736 = arith.constant 4 : i32
        %sub3A_737 = arith.subi %add3A_639, %sub3A_736 : i32
        %mul3A_738 = arith.constant 256 : i32
        %mul3A_739 = arith.muli %sub3A_737, %mul3A_738 : i32
        %add3A_740 = arith.addi %mul3A_2, %mul3A_739 : i32
        %jit3A_741 = arith.constant 16384 : i32
        %div3A_742 = arith.divsi %add3A_740, %jit3A_741 : i32
        %sign3A_743 = arith.constant 0 : i32
        %sign3A_744 = arith.cmpi sgt, %add3A_740, %sign3A_743 : i32
        %sign3A_745 = arith.extui %sign3A_744 : i1 to i32
        %sign3A_746 = arith.constant 0 : i32
        %sign3A_747 = arith.cmpi slt, %add3A_740, %sign3A_746 : i32
        %sign3A_748 = arith.extui %sign3A_747 : i1 to i32
        %sign3A_749 = arith.subi %sign3A_745, %sign3A_748 : i32
        %sign3A_750 = arith.constant 0 : i32
        %sign3A_751 = arith.cmpi sgt, %jit3A_741, %sign3A_750 : i32
        %sign3A_752 = arith.extui %sign3A_751 : i1 to i32
        %sign3A_753 = arith.constant 0 : i32
        %sign3A_754 = arith.cmpi slt, %jit3A_741, %sign3A_753 : i32
        %sign3A_755 = arith.extui %sign3A_754 : i1 to i32
        %sign3A_756 = arith.subi %sign3A_752, %sign3A_755 : i32
        %ne3A_757 = arith.cmpi ne, %sign3A_749, %sign3A_756 : i32
        %rem3A_758 = arith.remsi %add3A_740, %jit3A_741 : i32
        %ne3A_759 = arith.constant 0 : i32
        %ne3A_760 = arith.cmpi ne, %rem3A_758, %ne3A_759 : i32
        %and3A_761 = arith.andi %ne3A_757, %ne3A_760 : i1
        %sub3A_762 = arith.constant 1 : i32
        %sub3A_763 = arith.subi %div3A_742, %sub3A_762 : i32
        %select_n3A_764 = arith.select %and3A_761, %sub3A_763, %div3A_742 : i32
        %jit3A_765 = arith.constant 16384 : i32
        %eq3A_766 = arith.constant 0 : i32
        %eq3A_767 = arith.cmpi eq, %jit3A_765, %eq3A_766 : i32
        %jit3A_768 = arith.constant 1 : i32
        %select_n3A_769 = arith.select %eq3A_767, %jit3A_768, %jit3A_765 : i32
        %rem3A_770 = arith.remsi %add3A_740, %select_n3A_769 : i32
        %ne3A_771 = arith.constant 0 : i32
        %ne3A_772 = arith.cmpi ne, %rem3A_770, %ne3A_771 : i32
        %lt3A_773 = arith.constant 0 : i32
        %lt3A_774 = arith.cmpi slt, %rem3A_770, %lt3A_773 : i32
        %lt3A_775 = arith.constant 0 : i32
        %lt3A_776 = arith.cmpi slt, %select_n3A_769, %lt3A_775 : i32
        %ne3A_777 = arith.xori %lt3A_774, %lt3A_776 : i1
        %and3A_778 = arith.andi %ne3A_777, %ne3A_772 : i1
        %add3A_779 = arith.addi %rem3A_770, %select_n3A_769 : i32
        %select_n3A_780 = arith.select %and3A_778, %add3A_779, %rem3A_770 : i32
        %dma_wait3A_781 = arith.constant 2 : i32
        %dma_wait3A_782 = arith.constant 0 : i32
        %dma_wait3A_783 = arith.constant 0 : i32
        %dma_wait3A_784 = tpu.memref_slice %arg6[%dma_wait3A_781, %dma_wait3A_782, %dma_wait3A_783] : memref<4x256x64xf32, #tpu.memory_space<vmem>> -> memref<1x256x64xf32, #tpu.memory_space<vmem>>
        %dma_wait3A_785 = tpu.memref_squeeze %dma_wait3A_784 : memref<1x256x64xf32, #tpu.memory_space<vmem>> -> memref<256x64xf32, #tpu.memory_space<vmem>>
        %dma_wait3A_786 = arith.constant 0 : i32
        %dma_wait3A_787 = tpu.memref_slice %arg4[%select_n3A_764, %select_n3A_780, %dma_wait3A_786] : memref<50x16384x128xf32, #tpu.memory_space<hbm>> -> memref<1x256x64xf32, #tpu.memory_space<hbm>>
        %dma_wait3A_788 = tpu.memref_squeeze %dma_wait3A_787 : memref<1x256x64xf32, #tpu.memory_space<hbm>> -> memref<256x64xf32, #tpu.memory_space<hbm>>
        %dma_wait3A_789 = arith.constant 0 : i32
        %dma_wait3A_790 = tpu.memref_slice %arg4[%select_n3A_764, %select_n3A_780, %dma_wait3A_789] : memref<50x16384x128xf32, #tpu.memory_space<hbm>> -> memref<1x256x64xf32, #tpu.memory_space<hbm>>
        %dma_wait3A_791 = tpu.memref_squeeze %dma_wait3A_790 : memref<1x256x64xf32, #tpu.memory_space<hbm>> -> memref<256x64xf32, #tpu.memory_space<hbm>>
        %dma_wait3A_792 = arith.constant 0 : i32
        %dma_wait3A_793 = arith.constant 0 : i32
        %dma_wait3A_794 = tpu.memref_slice %arg6[%dma_wait3A_781, %dma_wait3A_792, %dma_wait3A_793] : memref<4x256x64xf32, #tpu.memory_space<vmem>> -> memref<1x256x64xf32, #tpu.memory_space<vmem>>
        %dma_wait3A_795 = tpu.memref_squeeze %dma_wait3A_794 : memref<1x256x64xf32, #tpu.memory_space<vmem>> -> memref<256x64xf32, #tpu.memory_space<vmem>>
        tpu.wait_dma2 semaphore(%arg13 : memref<!tpu.dma_semaphore, #tpu.memory_space<semaphore_mem>>) src(%dma_wait3A_795 : memref<256x64xf32, #tpu.memory_space<vmem>>) dst(%dma_wait3A_791 : memref<256x64xf32, #tpu.memory_space<hbm>>)
        %mul3A_796 = arith.constant 2 : i32
        %mul3A_797 = arith.muli %add3A_639, %mul3A_796 : i32
        %add3A_798 = arith.constant 0 : i32
        %add3A_799 = arith.addi %mul3A_797, %add3A_798 : i32
        %dma_start3A_800 = arith.constant 2 : i32
        %dma_start3A_801 = arith.constant 0 : i32
        %dma_start3A_802 = arith.constant 0 : i32
        %dma_start3A_803 = tpu.memref_slice %arg6[%dma_start3A_800, %dma_start3A_801, %dma_start3A_802] : memref<4x256x64xf32, #tpu.memory_space<vmem>> -> memref<1x128x64xf32, #tpu.memory_space<vmem>>
        %dma_start3A_804 = tpu.memref_squeeze %dma_start3A_803 : memref<1x128x64xf32, #tpu.memory_space<vmem>> -> memref<128x64xf32, #tpu.memory_space<vmem>>
        %dma_start3A_805 = arith.constant 0 : i32
        %dma_start3A_806 = tpu.memref_slice %arg5[%add3A_799, %dma_start3A_805] : memref<200x128xi32, #tpu.memory_space<vmem>> -> memref<1x128xi32, #tpu.memory_space<vmem>>
        %dma_start3A_807 = tpu.memref_squeeze %dma_start3A_806 : memref<1x128xi32, #tpu.memory_space<vmem>> -> memref<128xi32, #tpu.memory_space<vmem>>
        %dma_start3A_808 = arith.constant 0 : i32
        %dma_start3A_809 = arith.constant 0 : i32
        %dma_start3A_810 = tpu.memref_slice %arg2[%dma_start3A_808, %dma_start3A_809] : memref<100000x64xf32, #tpu.memory_space<hbm>> -> memref<100000x64xf32, #tpu.memory_space<hbm>>
        tpu.enqueue_indirect_dma source(%dma_start3A_810 : memref<100000x64xf32, #tpu.memory_space<hbm>>) target(%dma_start3A_804 : memref<128x64xf32, #tpu.memory_space<vmem>>) offsets(%dma_start3A_807 : memref<128xi32, #tpu.memory_space<vmem>>) semaphore(%arg9 : memref<!tpu.dma_semaphore, #tpu.memory_space<semaphore_mem>>)
        %mul3A_811 = arith.constant 2 : i32
        %mul3A_812 = arith.muli %add3A_639, %mul3A_811 : i32
        %add3A_813 = arith.constant 1 : i32
        %add3A_814 = arith.addi %mul3A_812, %add3A_813 : i32
        %dma_start3A_815 = arith.constant 2 : i32
        %dma_start3A_816 = arith.constant 128 : i32
        %dma_start3A_817 = arith.constant 0 : i32
        %dma_start3A_818 = tpu.memref_slice %arg6[%dma_start3A_815, %dma_start3A_816, %dma_start3A_817] : memref<4x256x64xf32, #tpu.memory_space<vmem>> -> memref<1x128x64xf32, #tpu.memory_space<vmem>>
        %dma_start3A_819 = tpu.memref_squeeze %dma_start3A_818 : memref<1x128x64xf32, #tpu.memory_space<vmem>> -> memref<128x64xf32, #tpu.memory_space<vmem>>
        %dma_start3A_820 = arith.constant 0 : i32
        %dma_start3A_821 = tpu.memref_slice %arg5[%add3A_814, %dma_start3A_820] : memref<200x128xi32, #tpu.memory_space<vmem>> -> memref<1x128xi32, #tpu.memory_space<vmem>>
        %dma_start3A_822 = tpu.memref_squeeze %dma_start3A_821 : memref<1x128xi32, #tpu.memory_space<vmem>> -> memref<128xi32, #tpu.memory_space<vmem>>
        %dma_start3A_823 = arith.constant 0 : i32
        %dma_start3A_824 = arith.constant 0 : i32
        %dma_start3A_825 = tpu.memref_slice %arg2[%dma_start3A_823, %dma_start3A_824] : memref<100000x64xf32, #tpu.memory_space<hbm>> -> memref<100000x64xf32, #tpu.memory_space<hbm>>
        tpu.enqueue_indirect_dma source(%dma_start3A_825 : memref<100000x64xf32, #tpu.memory_space<hbm>>) target(%dma_start3A_819 : memref<128x64xf32, #tpu.memory_space<vmem>>) offsets(%dma_start3A_822 : memref<128xi32, #tpu.memory_space<vmem>>) semaphore(%arg9 : memref<!tpu.dma_semaphore, #tpu.memory_space<semaphore_mem>>)
      } else {
      }
      %mul3A_648 = arith.constant 2 : i32
      %mul3A_649 = arith.muli %add3A_635, %mul3A_648 : i32
      %add3A_650 = arith.constant 0 : i32
      %add3A_651 = arith.addi %mul3A_649, %add3A_650 : i32
      %dma_wait3A_652 = arith.constant 3 : i32
      %dma_wait3A_653 = arith.constant 0 : i32
      %dma_wait3A_654 = arith.constant 0 : i32
      %dma_wait3A_655 = tpu.memref_slice %arg6[%dma_wait3A_652, %dma_wait3A_653, %dma_wait3A_654] : memref<4x256x64xf32, #tpu.memory_space<vmem>> -> memref<1x128x64xf32, #tpu.memory_space<vmem>>
      %dma_wait3A_656 = tpu.memref_squeeze %dma_wait3A_655 : memref<1x128x64xf32, #tpu.memory_space<vmem>> -> memref<128x64xf32, #tpu.memory_space<vmem>>
      %dma_wait3A_657 = arith.constant 0 : i32
      %dma_wait3A_658 = tpu.memref_slice %arg5[%add3A_651, %dma_wait3A_657] : memref<200x128xi32, #tpu.memory_space<vmem>> -> memref<1x128xi32, #tpu.memory_space<vmem>>
      %dma_wait3A_659 = tpu.memref_squeeze %dma_wait3A_658 : memref<1x128xi32, #tpu.memory_space<vmem>> -> memref<128xi32, #tpu.memory_space<vmem>>
      %dma_wait3A_660 = arith.constant 0 : i32
      %dma_wait3A_661 = arith.constant 0 : i32
      %dma_wait3A_662 = tpu.memref_slice %arg2[%dma_wait3A_660, %dma_wait3A_661] : memref<100000x64xf32, #tpu.memory_space<hbm>> -> memref<100000x64xf32, #tpu.memory_space<hbm>>
      tpu.wait_indirect_dma semaphore(%arg10 : memref<!tpu.dma_semaphore, #tpu.memory_space<semaphore_mem>>) src(%dma_wait3A_662 : memref<100000x64xf32, #tpu.memory_space<hbm>>) dst(%dma_wait3A_656 : memref<128x64xf32, #tpu.memory_space<vmem>>)
      %mul3A_663 = arith.constant 2 : i32
      %mul3A_664 = arith.muli %add3A_635, %mul3A_663 : i32
      %add3A_665 = arith.constant 1 : i32
      %add3A_666 = arith.addi %mul3A_664, %add3A_665 : i32
      %dma_wait3A_667 = arith.constant 3 : i32
      %dma_wait3A_668 = arith.constant 128 : i32
      %dma_wait3A_669 = arith.constant 0 : i32
      %dma_wait3A_670 = tpu.memref_slice %arg6[%dma_wait3A_667, %dma_wait3A_668, %dma_wait3A_669] : memref<4x256x64xf32, #tpu.memory_space<vmem>> -> memref<1x128x64xf32, #tpu.memory_space<vmem>>
      %dma_wait3A_671 = tpu.memref_squeeze %dma_wait3A_670 : memref<1x128x64xf32, #tpu.memory_space<vmem>> -> memref<128x64xf32, #tpu.memory_space<vmem>>
      %dma_wait3A_672 = arith.constant 0 : i32
      %dma_wait3A_673 = tpu.memref_slice %arg5[%add3A_666, %dma_wait3A_672] : memref<200x128xi32, #tpu.memory_space<vmem>> -> memref<1x128xi32, #tpu.memory_space<vmem>>
      %dma_wait3A_674 = tpu.memref_squeeze %dma_wait3A_673 : memref<1x128xi32, #tpu.memory_space<vmem>> -> memref<128xi32, #tpu.memory_space<vmem>>
      %dma_wait3A_675 = arith.constant 0 : i32
      %dma_wait3A_676 = arith.constant 0 : i32
      %dma_wait3A_677 = tpu.memref_slice %arg2[%dma_wait3A_675, %dma_wait3A_676] : memref<100000x64xf32, #tpu.memory_space<hbm>> -> memref<100000x64xf32, #tpu.memory_space<hbm>>
      tpu.wait_indirect_dma semaphore(%arg10 : memref<!tpu.dma_semaphore, #tpu.memory_space<semaphore_mem>>) src(%dma_wait3A_677 : memref<100000x64xf32, #tpu.memory_space<hbm>>) dst(%dma_wait3A_671 : memref<128x64xf32, #tpu.memory_space<vmem>>)
      %mul3A_678 = arith.constant 256 : i32
      %mul3A_679 = arith.muli %add3A_635, %mul3A_678 : i32
      %add3A_680 = arith.addi %mul3A_2, %mul3A_679 : i32
      %jit3A_681 = arith.constant 16384 : i32
      %div3A_682 = arith.divsi %add3A_680, %jit3A_681 : i32
      %sign3A_683 = arith.constant 0 : i32
      %sign3A_684 = arith.cmpi sgt, %add3A_680, %sign3A_683 : i32
      %sign3A_685 = arith.extui %sign3A_684 : i1 to i32
      %sign3A_686 = arith.constant 0 : i32
      %sign3A_687 = arith.cmpi slt, %add3A_680, %sign3A_686 : i32
      %sign3A_688 = arith.extui %sign3A_687 : i1 to i32
      %sign3A_689 = arith.subi %sign3A_685, %sign3A_688 : i32
      %sign3A_690 = arith.constant 0 : i32
      %sign3A_691 = arith.cmpi sgt, %jit3A_681, %sign3A_690 : i32
      %sign3A_692 = arith.extui %sign3A_691 : i1 to i32
      %sign3A_693 = arith.constant 0 : i32
      %sign3A_694 = arith.cmpi slt, %jit3A_681, %sign3A_693 : i32
      %sign3A_695 = arith.extui %sign3A_694 : i1 to i32
      %sign3A_696 = arith.subi %sign3A_692, %sign3A_695 : i32
      %ne3A_697 = arith.cmpi ne, %sign3A_689, %sign3A_696 : i32
      %rem3A_698 = arith.remsi %add3A_680, %jit3A_681 : i32
      %ne3A_699 = arith.constant 0 : i32
      %ne3A_700 = arith.cmpi ne, %rem3A_698, %ne3A_699 : i32
      %and3A_701 = arith.andi %ne3A_697, %ne3A_700 : i1
      %sub3A_702 = arith.constant 1 : i32
      %sub3A_703 = arith.subi %div3A_682, %sub3A_702 : i32
      %select_n3A_704 = arith.select %and3A_701, %sub3A_703, %div3A_682 : i32
      %jit3A_705 = arith.constant 16384 : i32
      %eq3A_706 = arith.constant 0 : i32
      %eq3A_707 = arith.cmpi eq, %jit3A_705, %eq3A_706 : i32
      %jit3A_708 = arith.constant 1 : i32
      %select_n3A_709 = arith.select %eq3A_707, %jit3A_708, %jit3A_705 : i32
      %rem3A_710 = arith.remsi %add3A_680, %select_n3A_709 : i32
      %ne3A_711 = arith.constant 0 : i32
      %ne3A_712 = arith.cmpi ne, %rem3A_710, %ne3A_711 : i32
      %lt3A_713 = arith.constant 0 : i32
      %lt3A_714 = arith.cmpi slt, %rem3A_710, %lt3A_713 : i32
      %lt3A_715 = arith.constant 0 : i32
      %lt3A_716 = arith.cmpi slt, %select_n3A_709, %lt3A_715 : i32
      %ne3A_717 = arith.xori %lt3A_714, %lt3A_716 : i1
      %and3A_718 = arith.andi %ne3A_717, %ne3A_712 : i1
      %add3A_719 = arith.addi %rem3A_710, %select_n3A_709 : i32
      %select_n3A_720 = arith.select %and3A_718, %add3A_719, %rem3A_710 : i32
      %dma_start3A_721 = arith.constant 3 : i32
      %dma_start3A_722 = arith.constant 0 : i32
      %dma_start3A_723 = arith.constant 0 : i32
      %dma_start3A_724 = tpu.memref_slice %arg6[%dma_start3A_721, %dma_start3A_722, %dma_start3A_723] : memref<4x256x64xf32, #tpu.memory_space<vmem>> -> memref<1x256x64xf32, #tpu.memory_space<vmem>>
      %dma_start3A_725 = tpu.memref_squeeze %dma_start3A_724 : memref<1x256x64xf32, #tpu.memory_space<vmem>> -> memref<256x64xf32, #tpu.memory_space<vmem>>
      %dma_start3A_726 = arith.constant 0 : i32
      %dma_start3A_727 = tpu.memref_slice %arg4[%select_n3A_704, %select_n3A_720, %dma_start3A_726] : memref<50x16384x128xf32, #tpu.memory_space<hbm>> -> memref<1x256x64xf32, #tpu.memory_space<hbm>>
      %dma_start3A_728 = tpu.memref_squeeze %dma_start3A_727 : memref<1x256x64xf32, #tpu.memory_space<hbm>> -> memref<256x64xf32, #tpu.memory_space<hbm>>
      %dma_start3A_729 = arith.constant 0 : i32
      %dma_start3A_730 = tpu.memref_slice %arg4[%select_n3A_704, %select_n3A_720, %dma_start3A_729] : memref<50x16384x128xf32, #tpu.memory_space<hbm>> -> memref<1x256x64xf32, #tpu.memory_space<hbm>>
      %dma_start3A_731 = tpu.memref_squeeze %dma_start3A_730 : memref<1x256x64xf32, #tpu.memory_space<hbm>> -> memref<256x64xf32, #tpu.memory_space<hbm>>
      %dma_start3A_732 = arith.constant 0 : i32
      %dma_start3A_733 = arith.constant 0 : i32
      %dma_start3A_734 = tpu.memref_slice %arg6[%dma_start3A_721, %dma_start3A_732, %dma_start3A_733] : memref<4x256x64xf32, #tpu.memory_space<vmem>> -> memref<1x256x64xf32, #tpu.memory_space<vmem>>
      %dma_start3A_735 = tpu.memref_squeeze %dma_start3A_734 : memref<1x256x64xf32, #tpu.memory_space<vmem>> -> memref<256x64xf32, #tpu.memory_space<vmem>>
      tpu.enqueue_dma source(%dma_start3A_735 : memref<256x64xf32, #tpu.memory_space<vmem>>) target(%dma_start3A_731 : memref<256x64xf32, #tpu.memory_space<hbm>>) target_semaphore(%arg14 : memref<!tpu.dma_semaphore, #tpu.memory_space<semaphore_mem>>)
    }
    %scan3A_104 = arith.constant 25 : i32
    %add3A_105 = arith.constant 24576 : i32
    %add3A_106 = arith.addi %mul3A_2, %add3A_105 : i32
    %jit3A = arith.constant 16384 : i32
    %div3A = arith.divsi %add3A_106, %jit3A : i32
    %sign3A = arith.constant 0 : i32
    %sign3A_107 = arith.cmpi sgt, %add3A_106, %sign3A : i32
    %sign3A_108 = arith.extui %sign3A_107 : i1 to i32
    %sign3A_109 = arith.constant 0 : i32
    %sign3A_110 = arith.cmpi slt, %add3A_106, %sign3A_109 : i32
    %sign3A_111 = arith.extui %sign3A_110 : i1 to i32
    %sign3A_112 = arith.subi %sign3A_108, %sign3A_111 : i32
    %sign3A_113 = arith.constant 0 : i32
    %sign3A_114 = arith.cmpi sgt, %jit3A, %sign3A_113 : i32
    %sign3A_115 = arith.extui %sign3A_114 : i1 to i32
    %sign3A_116 = arith.constant 0 : i32
    %sign3A_117 = arith.cmpi slt, %jit3A, %sign3A_116 : i32
    %sign3A_118 = arith.extui %sign3A_117 : i1 to i32
    %sign3A_119 = arith.subi %sign3A_115, %sign3A_118 : i32
    %ne3A = arith.cmpi ne, %sign3A_112, %sign3A_119 : i32
    %rem3A = arith.remsi %add3A_106, %jit3A : i32
    %ne3A_120 = arith.constant 0 : i32
    %ne3A_121 = arith.cmpi ne, %rem3A, %ne3A_120 : i32
    %and3A = arith.andi %ne3A, %ne3A_121 : i1
    %sub3A = arith.constant 1 : i32
    %sub3A_122 = arith.subi %div3A, %sub3A : i32
    %select_n3A = arith.select %and3A, %sub3A_122, %div3A : i32
    %jit3A_123 = arith.constant 16384 : i32
    %eq3A = arith.constant 0 : i32
    %eq3A_124 = arith.cmpi eq, %jit3A_123, %eq3A : i32
    %jit3A_125 = arith.constant 1 : i32
    %select_n3A_126 = arith.select %eq3A_124, %jit3A_125, %jit3A_123 : i32
    %rem3A_127 = arith.remsi %add3A_106, %select_n3A_126 : i32
    %ne3A_128 = arith.constant 0 : i32
    %ne3A_129 = arith.cmpi ne, %rem3A_127, %ne3A_128 : i32
    %lt3A = arith.constant 0 : i32
    %lt3A_130 = arith.cmpi slt, %rem3A_127, %lt3A : i32
    %lt3A_131 = arith.constant 0 : i32
    %lt3A_132 = arith.cmpi slt, %select_n3A_126, %lt3A_131 : i32
    %ne3A_133 = arith.xori %lt3A_130, %lt3A_132 : i1
    %and3A_134 = arith.andi %ne3A_133, %ne3A_129 : i1
    %add3A_135 = arith.addi %rem3A_127, %select_n3A_126 : i32
    %select_n3A_136 = arith.select %and3A_134, %add3A_135, %rem3A_127 : i32
    %dma_wait3A = arith.constant 0 : i32
    %dma_wait3A_137 = arith.constant 0 : i32
    %dma_wait3A_138 = arith.constant 0 : i32
    %dma_wait3A_139 = tpu.memref_slice %arg6[%dma_wait3A, %dma_wait3A_137, %dma_wait3A_138] : memref<4x256x64xf32, #tpu.memory_space<vmem>> -> memref<1x256x64xf32, #tpu.memory_space<vmem>>
    %dma_wait3A_140 = tpu.memref_squeeze %dma_wait3A_139 : memref<1x256x64xf32, #tpu.memory_space<vmem>> -> memref<256x64xf32, #tpu.memory_space<vmem>>
    %dma_wait3A_141 = arith.constant 0 : i32
    %dma_wait3A_142 = tpu.memref_slice %arg4[%select_n3A, %select_n3A_136, %dma_wait3A_141] : memref<50x16384x128xf32, #tpu.memory_space<hbm>> -> memref<1x256x64xf32, #tpu.memory_space<hbm>>
    %dma_wait3A_143 = tpu.memref_squeeze %dma_wait3A_142 : memref<1x256x64xf32, #tpu.memory_space<hbm>> -> memref<256x64xf32, #tpu.memory_space<hbm>>
    %dma_wait3A_144 = arith.constant 0 : i32
    %dma_wait3A_145 = tpu.memref_slice %arg4[%select_n3A, %select_n3A_136, %dma_wait3A_144] : memref<50x16384x128xf32, #tpu.memory_space<hbm>> -> memref<1x256x64xf32, #tpu.memory_space<hbm>>
    %dma_wait3A_146 = tpu.memref_squeeze %dma_wait3A_145 : memref<1x256x64xf32, #tpu.memory_space<hbm>> -> memref<256x64xf32, #tpu.memory_space<hbm>>
    %dma_wait3A_147 = arith.constant 0 : i32
    %dma_wait3A_148 = arith.constant 0 : i32
    %dma_wait3A_149 = tpu.memref_slice %arg6[%dma_wait3A, %dma_wait3A_147, %dma_wait3A_148] : memref<4x256x64xf32, #tpu.memory_space<vmem>> -> memref<1x256x64xf32, #tpu.memory_space<vmem>>
    %dma_wait3A_150 = tpu.memref_squeeze %dma_wait3A_149 : memref<1x256x64xf32, #tpu.memory_space<vmem>> -> memref<256x64xf32, #tpu.memory_space<vmem>>
    tpu.wait_dma2 semaphore(%arg11 : memref<!tpu.dma_semaphore, #tpu.memory_space<semaphore_mem>>) src(%dma_wait3A_150 : memref<256x64xf32, #tpu.memory_space<vmem>>) dst(%dma_wait3A_146 : memref<256x64xf32, #tpu.memory_space<hbm>>)
    %add3A_151 = arith.constant 24832 : i32
    %add3A_152 = arith.addi %mul3A_2, %add3A_151 : i32
    %jit3A_153 = arith.constant 16384 : i32
    %div3A_154 = arith.divsi %add3A_152, %jit3A_153 : i32
    %sign3A_155 = arith.constant 0 : i32
    %sign3A_156 = arith.cmpi sgt, %add3A_152, %sign3A_155 : i32
    %sign3A_157 = arith.extui %sign3A_156 : i1 to i32
    %sign3A_158 = arith.constant 0 : i32
    %sign3A_159 = arith.cmpi slt, %add3A_152, %sign3A_158 : i32
    %sign3A_160 = arith.extui %sign3A_159 : i1 to i32
    %sign3A_161 = arith.subi %sign3A_157, %sign3A_160 : i32
    %sign3A_162 = arith.constant 0 : i32
    %sign3A_163 = arith.cmpi sgt, %jit3A_153, %sign3A_162 : i32
    %sign3A_164 = arith.extui %sign3A_163 : i1 to i32
    %sign3A_165 = arith.constant 0 : i32
    %sign3A_166 = arith.cmpi slt, %jit3A_153, %sign3A_165 : i32
    %sign3A_167 = arith.extui %sign3A_166 : i1 to i32
    %sign3A_168 = arith.subi %sign3A_164, %sign3A_167 : i32
    %ne3A_169 = arith.cmpi ne, %sign3A_161, %sign3A_168 : i32
    %rem3A_170 = arith.remsi %add3A_152, %jit3A_153 : i32
    %ne3A_171 = arith.constant 0 : i32
    %ne3A_172 = arith.cmpi ne, %rem3A_170, %ne3A_171 : i32
    %and3A_173 = arith.andi %ne3A_169, %ne3A_172 : i1
    %sub3A_174 = arith.constant 1 : i32
    %sub3A_175 = arith.subi %div3A_154, %sub3A_174 : i32
    %select_n3A_176 = arith.select %and3A_173, %sub3A_175, %div3A_154 : i32
    %jit3A_177 = arith.constant 16384 : i32
    %eq3A_178 = arith.constant 0 : i32
    %eq3A_179 = arith.cmpi eq, %jit3A_177, %eq3A_178 : i32
    %jit3A_180 = arith.constant 1 : i32
    %select_n3A_181 = arith.select %eq3A_179, %jit3A_180, %jit3A_177 : i32
    %rem3A_182 = arith.remsi %add3A_152, %select_n3A_181 : i32
    %ne3A_183 = arith.constant 0 : i32
    %ne3A_184 = arith.cmpi ne, %rem3A_182, %ne3A_183 : i32
    %lt3A_185 = arith.constant 0 : i32
    %lt3A_186 = arith.cmpi slt, %rem3A_182, %lt3A_185 : i32
    %lt3A_187 = arith.constant 0 : i32
    %lt3A_188 = arith.cmpi slt, %select_n3A_181, %lt3A_187 : i32
    %ne3A_189 = arith.xori %lt3A_186, %lt3A_188 : i1
    %and3A_190 = arith.andi %ne3A_189, %ne3A_184 : i1
    %add3A_191 = arith.addi %rem3A_182, %select_n3A_181 : i32
    %select_n3A_192 = arith.select %and3A_190, %add3A_191, %rem3A_182 : i32
    %dma_wait3A_193 = arith.constant 1 : i32
    %dma_wait3A_194 = arith.constant 0 : i32
    %dma_wait3A_195 = arith.constant 0 : i32
    %dma_wait3A_196 = tpu.memref_slice %arg6[%dma_wait3A_193, %dma_wait3A_194, %dma_wait3A_195] : memref<4x256x64xf32, #tpu.memory_space<vmem>> -> memref<1x256x64xf32, #tpu.memory_space<vmem>>
    %dma_wait3A_197 = tpu.memref_squeeze %dma_wait3A_196 : memref<1x256x64xf32, #tpu.memory_space<vmem>> -> memref<256x64xf32, #tpu.memory_space<vmem>>
    %dma_wait3A_198 = arith.constant 0 : i32
    %dma_wait3A_199 = tpu.memref_slice %arg4[%select_n3A_176, %select_n3A_192, %dma_wait3A_198] : memref<50x16384x128xf32, #tpu.memory_space<hbm>> -> memref<1x256x64xf32, #tpu.memory_space<hbm>>
    %dma_wait3A_200 = tpu.memref_squeeze %dma_wait3A_199 : memref<1x256x64xf32, #tpu.memory_space<hbm>> -> memref<256x64xf32, #tpu.memory_space<hbm>>
    %dma_wait3A_201 = arith.constant 0 : i32
    %dma_wait3A_202 = tpu.memref_slice %arg4[%select_n3A_176, %select_n3A_192, %dma_wait3A_201] : memref<50x16384x128xf32, #tpu.memory_space<hbm>> -> memref<1x256x64xf32, #tpu.memory_space<hbm>>
    %dma_wait3A_203 = tpu.memref_squeeze %dma_wait3A_202 : memref<1x256x64xf32, #tpu.memory_space<hbm>> -> memref<256x64xf32, #tpu.memory_space<hbm>>
    %dma_wait3A_204 = arith.constant 0 : i32
    %dma_wait3A_205 = arith.constant 0 : i32
    %dma_wait3A_206 = tpu.memref_slice %arg6[%dma_wait3A_193, %dma_wait3A_204, %dma_wait3A_205] : memref<4x256x64xf32, #tpu.memory_space<vmem>> -> memref<1x256x64xf32, #tpu.memory_space<vmem>>
    %dma_wait3A_207 = tpu.memref_squeeze %dma_wait3A_206 : memref<1x256x64xf32, #tpu.memory_space<vmem>> -> memref<256x64xf32, #tpu.memory_space<vmem>>
    tpu.wait_dma2 semaphore(%arg12 : memref<!tpu.dma_semaphore, #tpu.memory_space<semaphore_mem>>) src(%dma_wait3A_207 : memref<256x64xf32, #tpu.memory_space<vmem>>) dst(%dma_wait3A_203 : memref<256x64xf32, #tpu.memory_space<hbm>>)
    %add3A_208 = arith.constant 25088 : i32
    %add3A_209 = arith.addi %mul3A_2, %add3A_208 : i32
    %jit3A_210 = arith.constant 16384 : i32
    %div3A_211 = arith.divsi %add3A_209, %jit3A_210 : i32
    %sign3A_212 = arith.constant 0 : i32
    %sign3A_213 = arith.cmpi sgt, %add3A_209, %sign3A_212 : i32
    %sign3A_214 = arith.extui %sign3A_213 : i1 to i32
    %sign3A_215 = arith.constant 0 : i32
    %sign3A_216 = arith.cmpi slt, %add3A_209, %sign3A_215 : i32
    %sign3A_217 = arith.extui %sign3A_216 : i1 to i32
    %sign3A_218 = arith.subi %sign3A_214, %sign3A_217 : i32
    %sign3A_219 = arith.constant 0 : i32
    %sign3A_220 = arith.cmpi sgt, %jit3A_210, %sign3A_219 : i32
    %sign3A_221 = arith.extui %sign3A_220 : i1 to i32
    %sign3A_222 = arith.constant 0 : i32
    %sign3A_223 = arith.cmpi slt, %jit3A_210, %sign3A_222 : i32
    %sign3A_224 = arith.extui %sign3A_223 : i1 to i32
    %sign3A_225 = arith.subi %sign3A_221, %sign3A_224 : i32
    %ne3A_226 = arith.cmpi ne, %sign3A_218, %sign3A_225 : i32
    %rem3A_227 = arith.remsi %add3A_209, %jit3A_210 : i32
    %ne3A_228 = arith.constant 0 : i32
    %ne3A_229 = arith.cmpi ne, %rem3A_227, %ne3A_228 : i32
    %and3A_230 = arith.andi %ne3A_226, %ne3A_229 : i1
    %sub3A_231 = arith.constant 1 : i32
    %sub3A_232 = arith.subi %div3A_211, %sub3A_231 : i32
    %select_n3A_233 = arith.select %and3A_230, %sub3A_232, %div3A_211 : i32
    %jit3A_234 = arith.constant 16384 : i32
    %eq3A_235 = arith.constant 0 : i32
    %eq3A_236 = arith.cmpi eq, %jit3A_234, %eq3A_235 : i32
    %jit3A_237 = arith.constant 1 : i32
    %select_n3A_238 = arith.select %eq3A_236, %jit3A_237, %jit3A_234 : i32
    %rem3A_239 = arith.remsi %add3A_209, %select_n3A_238 : i32
    %ne3A_240 = arith.constant 0 : i32
    %ne3A_241 = arith.cmpi ne, %rem3A_239, %ne3A_240 : i32
    %lt3A_242 = arith.constant 0 : i32
    %lt3A_243 = arith.cmpi slt, %rem3A_239, %lt3A_242 : i32
    %lt3A_244 = arith.constant 0 : i32
    %lt3A_245 = arith.cmpi slt, %select_n3A_238, %lt3A_244 : i32
    %ne3A_246 = arith.xori %lt3A_243, %lt3A_245 : i1
    %and3A_247 = arith.andi %ne3A_246, %ne3A_241 : i1
    %add3A_248 = arith.addi %rem3A_239, %select_n3A_238 : i32
    %select_n3A_249 = arith.select %and3A_247, %add3A_248, %rem3A_239 : i32
    %dma_wait3A_250 = arith.constant 2 : i32
    %dma_wait3A_251 = arith.constant 0 : i32
    %dma_wait3A_252 = arith.constant 0 : i32
    %dma_wait3A_253 = tpu.memref_slice %arg6[%dma_wait3A_250, %dma_wait3A_251, %dma_wait3A_252] : memref<4x256x64xf32, #tpu.memory_space<vmem>> -> memref<1x256x64xf32, #tpu.memory_space<vmem>>
    %dma_wait3A_254 = tpu.memref_squeeze %dma_wait3A_253 : memref<1x256x64xf32, #tpu.memory_space<vmem>> -> memref<256x64xf32, #tpu.memory_space<vmem>>
    %dma_wait3A_255 = arith.constant 0 : i32
    %dma_wait3A_256 = tpu.memref_slice %arg4[%select_n3A_233, %select_n3A_249, %dma_wait3A_255] : memref<50x16384x128xf32, #tpu.memory_space<hbm>> -> memref<1x256x64xf32, #tpu.memory_space<hbm>>
    %dma_wait3A_257 = tpu.memref_squeeze %dma_wait3A_256 : memref<1x256x64xf32, #tpu.memory_space<hbm>> -> memref<256x64xf32, #tpu.memory_space<hbm>>
    %dma_wait3A_258 = arith.constant 0 : i32
    %dma_wait3A_259 = tpu.memref_slice %arg4[%select_n3A_233, %select_n3A_249, %dma_wait3A_258] : memref<50x16384x128xf32, #tpu.memory_space<hbm>> -> memref<1x256x64xf32, #tpu.memory_space<hbm>>
    %dma_wait3A_260 = tpu.memref_squeeze %dma_wait3A_259 : memref<1x256x64xf32, #tpu.memory_space<hbm>> -> memref<256x64xf32, #tpu.memory_space<hbm>>
    %dma_wait3A_261 = arith.constant 0 : i32
    %dma_wait3A_262 = arith.constant 0 : i32
    %dma_wait3A_263 = tpu.memref_slice %arg6[%dma_wait3A_250, %dma_wait3A_261, %dma_wait3A_262] : memref<4x256x64xf32, #tpu.memory_space<vmem>> -> memref<1x256x64xf32, #tpu.memory_space<vmem>>
    %dma_wait3A_264 = tpu.memref_squeeze %dma_wait3A_263 : memref<1x256x64xf32, #tpu.memory_space<vmem>> -> memref<256x64xf32, #tpu.memory_space<vmem>>
    tpu.wait_dma2 semaphore(%arg13 : memref<!tpu.dma_semaphore, #tpu.memory_space<semaphore_mem>>) src(%dma_wait3A_264 : memref<256x64xf32, #tpu.memory_space<vmem>>) dst(%dma_wait3A_260 : memref<256x64xf32, #tpu.memory_space<hbm>>)
    %add3A_265 = arith.constant 25344 : i32
    %add3A_266 = arith.addi %mul3A_2, %add3A_265 : i32
    %jit3A_267 = arith.constant 16384 : i32
    %div3A_268 = arith.divsi %add3A_266, %jit3A_267 : i32
    %sign3A_269 = arith.constant 0 : i32
    %sign3A_270 = arith.cmpi sgt, %add3A_266, %sign3A_269 : i32
    %sign3A_271 = arith.extui %sign3A_270 : i1 to i32
    %sign3A_272 = arith.constant 0 : i32
    %sign3A_273 = arith.cmpi slt, %add3A_266, %sign3A_272 : i32
    %sign3A_274 = arith.extui %sign3A_273 : i1 to i32
    %sign3A_275 = arith.subi %sign3A_271, %sign3A_274 : i32
    %sign3A_276 = arith.constant 0 : i32
    %sign3A_277 = arith.cmpi sgt, %jit3A_267, %sign3A_276 : i32
    %sign3A_278 = arith.extui %sign3A_277 : i1 to i32
    %sign3A_279 = arith.constant 0 : i32
    %sign3A_280 = arith.cmpi slt, %jit3A_267, %sign3A_279 : i32
    %sign3A_281 = arith.extui %sign3A_280 : i1 to i32
    %sign3A_282 = arith.subi %sign3A_278, %sign3A_281 : i32
    %ne3A_283 = arith.cmpi ne, %sign3A_275, %sign3A_282 : i32
    %rem3A_284 = arith.remsi %add3A_266, %jit3A_267 : i32
    %ne3A_285 = arith.constant 0 : i32
    %ne3A_286 = arith.cmpi ne, %rem3A_284, %ne3A_285 : i32
    %and3A_287 = arith.andi %ne3A_283, %ne3A_286 : i1
    %sub3A_288 = arith.constant 1 : i32
    %sub3A_289 = arith.subi %div3A_268, %sub3A_288 : i32
    %select_n3A_290 = arith.select %and3A_287, %sub3A_289, %div3A_268 : i32
    %jit3A_291 = arith.constant 16384 : i32
    %eq3A_292 = arith.constant 0 : i32
    %eq3A_293 = arith.cmpi eq, %jit3A_291, %eq3A_292 : i32
    %jit3A_294 = arith.constant 1 : i32
    %select_n3A_295 = arith.select %eq3A_293, %jit3A_294, %jit3A_291 : i32
    %rem3A_296 = arith.remsi %add3A_266, %select_n3A_295 : i32
    %ne3A_297 = arith.constant 0 : i32
    %ne3A_298 = arith.cmpi ne, %rem3A_296, %ne3A_297 : i32
    %lt3A_299 = arith.constant 0 : i32
    %lt3A_300 = arith.cmpi slt, %rem3A_296, %lt3A_299 : i32
    %lt3A_301 = arith.constant 0 : i32
    %lt3A_302 = arith.cmpi slt, %select_n3A_295, %lt3A_301 : i32
    %ne3A_303 = arith.xori %lt3A_300, %lt3A_302 : i1
    %and3A_304 = arith.andi %ne3A_303, %ne3A_298 : i1
    %add3A_305 = arith.addi %rem3A_296, %select_n3A_295 : i32
    %select_n3A_306 = arith.select %and3A_304, %add3A_305, %rem3A_296 : i32
    %dma_wait3A_307 = arith.constant 3 : i32
    %dma_wait3A_308 = arith.constant 0 : i32
    %dma_wait3A_309 = arith.constant 0 : i32
    %dma_wait3A_310 = tpu.memref_slice %arg6[%dma_wait3A_307, %dma_wait3A_308, %dma_wait3A_309] : memref<4x256x64xf32, #tpu.memory_space<vmem>> -> memref<1x256x64xf32, #tpu.memory_space<vmem>>
    %dma_wait3A_311 = tpu.memref_squeeze %dma_wait3A_310 : memref<1x256x64xf32, #tpu.memory_space<vmem>> -> memref<256x64xf32, #tpu.memory_space<vmem>>
    %dma_wait3A_312 = arith.constant 0 : i32
    %dma_wait3A_313 = tpu.memref_slice %arg4[%select_n3A_290, %select_n3A_306, %dma_wait3A_312] : memref<50x16384x128xf32, #tpu.memory_space<hbm>> -> memref<1x256x64xf32, #tpu.memory_space<hbm>>
    %dma_wait3A_314 = tpu.memref_squeeze %dma_wait3A_313 : memref<1x256x64xf32, #tpu.memory_space<hbm>> -> memref<256x64xf32, #tpu.memory_space<hbm>>
    %dma_wait3A_315 = arith.constant 0 : i32
    %dma_wait3A_316 = tpu.memref_slice %arg4[%select_n3A_290, %select_n3A_306, %dma_wait3A_315] : memref<50x16384x128xf32, #tpu.memory_space<hbm>> -> memref<1x256x64xf32, #tpu.memory_space<hbm>>
    %dma_wait3A_317 = tpu.memref_squeeze %dma_wait3A_316 : memref<1x256x64xf32, #tpu.memory_space<hbm>> -> memref<256x64xf32, #tpu.memory_space<hbm>>
    %dma_wait3A_318 = arith.constant 0 : i32
    %dma_wait3A_319 = arith.constant 0 : i32
    %dma_wait3A_320 = tpu.memref_slice %arg6[%dma_wait3A_307, %dma_wait3A_318, %dma_wait3A_319] : memref<4x256x64xf32, #tpu.memory_space<vmem>> -> memref<1x256x64xf32, #tpu.memory_space<vmem>>
    %dma_wait3A_321 = tpu.memref_squeeze %dma_wait3A_320 : memref<1x256x64xf32, #tpu.memory_space<vmem>> -> memref<256x64xf32, #tpu.memory_space<vmem>>
    tpu.wait_dma2 semaphore(%arg14 : memref<!tpu.dma_semaphore, #tpu.memory_space<semaphore_mem>>) src(%dma_wait3A_321 : memref<256x64xf32, #tpu.memory_space<vmem>>) dst(%dma_wait3A_317 : memref<256x64xf32, #tpu.memory_space<hbm>>)
    return
  }
}

module attributes {stable_mosaic.version = 14 : i64} {
  func.func @body(%arg0: i32, %arg1: i32, %arg2: memref<16384x128xf32, #tpu.memory_space<vmem>>, %arg3: memref<1x64x16384xf32, #tpu.memory_space<vmem>>) attributes {dimension_semantics = [#tpu.dimension_semantics<arbitrary>, #tpu.dimension_semantics<arbitrary>], iteration_bounds = array<i64: 50, 1>, scalar_prefetch = 0 : i64, scratch_operands = 0 : i64, tpu.core_type = #tpu.core_type<tc>, window_params = [{transform_indices = @transform_0, window_bounds = array<i64: 16384, 128>}, {transform_indices = @transform_1, window_bounds = array<i64: 1, 64, 16384>}]} {
    %get3A = arith.constant 0 : index
    %get3A_0 = arith.constant 0 : index
    %get3A_1 = vector.load %arg2[%get3A, %get3A_0] : memref<16384x128xf32, #tpu.memory_space<vmem>>, vector<16384x128xf32>
    %transpose3A = tpu.transpose %get3A_1, [1, 0] : vector<16384x128xf32> -> vector<128x16384xf32>
    %slice3A = vector.extract_strided_slice %transpose3A {offsets = [0, 0], sizes = [64, 16384], strides = [1, 1]} : vector<128x16384xf32> to vector<64x16384xf32>
    %broadcast_in_dim3A = vector.shape_cast %slice3A : vector<64x16384xf32> to vector<1x64x16384xf32>
    %swap3A = arith.constant 0 : index
    %swap3A_2 = arith.constant 0 : index
    %swap3A_3 = arith.constant 0 : index
    %swap3A_4 = vector.load %arg3[%swap3A, %swap3A_2, %swap3A_3] : memref<1x64x16384xf32, #tpu.memory_space<vmem>>, vector<1x64x16384xf32>
    tpu.vector_store %arg3[%swap3A, %swap3A_2, %swap3A_3], %broadcast_in_dim3A {strides = array<i32>} : memref<1x64x16384xf32, #tpu.memory_space<vmem>>, vector<1x64x16384xf32>,
    return
  }
  func.func @transform_0(%arg0: i32, %arg1: i32) -> (i32, i32) {
    %mul3A = arith.constant 1 : i32
    %mul3A_0 = arith.muli %arg0, %mul3A : i32
    %add3A = arith.addi %mul3A_0, %arg1 : i32
    %c0_i32 = arith.constant 0 : i32
    %c0_i32_1 = arith.constant 0 : i32
    return %add3A, %c0_i32 : i32, i32
  }
  func.func @transform_1(%arg0: i32, %arg1: i32) -> (i32, i32, i32) {
    %c0_i32 = arith.constant 0 : i32
    %c0_i32_0 = arith.constant 0 : i32
    return %arg0, %c0_i32, %arg1 : i32, i32, i32
  }
}

</mosaic_0001>

<sc_bundles>
// kernel: kernel.4.cloned.1.call-start
scs
__scs_entry_jumppad:
0x0: {  	(pc) =	sbr.rel $0x88, $3  }
0x1: {  	(tag) =	ssettag $0x0;
	lr =	simm.s32 $0x1  }
0x2: {  	[smem:$0x3F9F] =	sst lr;
	_ =	strace $0xD0000000  }
0x3: {  	_ = 	snop  }
0x4: {  	_ = 	snop  }
0x5: {  	_ = 	snop  }
0x6: {  	_ = 	snop  }
0x7: {  	_ = 	snop  }
__scs_overlays_trampoline_lowered:
0x8: {  	[smem:$0x3FAE] =	sst s0  }
0x9: {  	[smem:$0x3FAF] =	sst s1  }
0xa: {  	[smem:$0x3FB0] =	sst s2  }
0xb: {  	[smem:$0x3FB1] =	sst s3  }
0xc: {  	[smem:$0x3FB2] =	sst s4  }
0xd: {  	[smem:$0x3FB3] =	sst s5  }
0xe: {  	[smem:$0x3FB4] =	sst s6  }
0xf: {  	[smem:$0x3FB5] =	sst s7  }
0x10: {  	[smem:$0x3FB6] =	sst s8  }
0x11: {  	[smem:$0x3FB7] =	sst s9;
	s0 =	simm.s32 @!p0 $0x0  }
0x12: {  	s1 =	sld [smem:$0x3F9D];
	s0 =	simm.s32 @p0 $0x1  }
0x13: {  	[smem:$0x3FB8] =	sst s0;
	s0 =	simm.s32 @!p1 $0x0  }
0x14: {  	s2 =	sld [smem:$0x3F9C];
	s0 =	simm.s32 @p1 $0x1  }
0x15: {  	[smem:$0x3FB9] =	sst s0;
	s0 =	simm.s32 @!p2 $0x0  }
0x16: {  	s3 =	sld [smem:$0x3FDB];
	s0 =	simm.s32 @p2 $0x1  }
0x17: {  	s4 =	simm.s32 $0x1BF5;
	[smem:$0x3FBB] =	sst s0  }
0x18: {  	s0 =	sld [smem:$0x3F9E];
	_ =	swait.ge [sflag:s4], $0x0  }
0x19: {  	s7 =	sld [smem:$0x3F9F]  }
0x1a: {  	s8 =	sadd.s32 $0xFFFFE003, lr  }
0x1b: {  	s9 =	sadd.s32 $0xFFFFFEF7, lr;
	s5 =	simm.s32 $0xFFFFFFFF;
	p2 =	slt.u32 s8, $0xFFFFF086  }
0x1c: {  	p1 =	slt.u32 s9, $0xF7A;
	s5 =	simm.s32 @!p2 $0x0  }
0x1d: {  	s5 =	simm.s32 @p1 $0x1;
	p0 =	seq.s32 s7, s2  }
0x1e: {  	s7 =	smul.u32 @!p0 $0xF7A, s2;
	p2 =	seq.s32 @!p0 s5, $0x0  }
0x1f: {  	s9 =	smul.u32 $0xF7A, s1;
	s8 =	simm.s32 @!p0 $0x1BF5;
	p2 =	por !p2, p0  }
0x20: {  	[sflag:s8] =	ssyncset.s32 @!p0 $0xFFFFF086;
	s6 =	sadd.s32 @!p0 s3, s7;
	s7 =	simm.s32 @!p0 $0x108  }
0x21: {  	s3 =	sadd.s32 s3, s9;
	s6 =	sadd.s32 @!p0 $0x88, s6;
	s7 =	simm.s32 @p2 $0x1082  }
0x22: {  	[simem:s7], [sflag:s8] =	dma.local @!p0 [hbm:s6], $0xF7A  }
0x23: {  	s9 =	sor.u32 $0xD0000000, s2;
	s6 =	simm.s32 $0x108;
	_ =	swait.ge @!p0 [sflag:s8], $0x0  }
0x24: {  	s3 =	sadd.s32 $0x88, s3;
	s6 =	simm.s32 @!p1 $0x1082;
	[sflag:s4] =	ssyncset.s32 $0xFFFFF086  }
0x25: {  	[simem:s6], [sflag:s4] =	dma.local [hbm:s3], $0xF7A  }
0x26: {  	[smem:$0x3F9F] =	sst s1;
	(tag) =	ssettag s2;
	_ =	strace s9  }
0x27: {  	s1 =	sld [smem:$0x3FAF]  }
0x28: {  	s2 =	sld [smem:$0x3FB0]  }
0x29: {  	s4 =	sld [smem:$0x3FB2]  }
0x2a: {  	p0 =	seq.s32 s5, $0x0;
	s5 =	sld [smem:$0x3FB3]  }
0x2b: {  	s6 =	sld [smem:$0x3FB4]  }
0x2c: {  	s7 =	sld [smem:$0x3FB5]  }
0x2d: {  	s3 =	simm.s32 $0x108;
	s8 =	sld [smem:$0x3FB6]  }
0x2e: {  	s3 =	simm.s32 @!p0 $0x1082;
	s9 =	sld [smem:$0x3FB7]  }
0x2f: {  	lr =	sadd.s32 s0, s3;
	s0 =	sld [smem:$0x3FAE]  }
0x30: {  	s3 =	sld [smem:$0x3FB1]  }
0x31: {  	[smem:$0x3FBA] =	sst s10  }
0x32: {  	s10 =	sld [smem:$0x3FB8];
	_ =	sdelay $0x3  }
0x33: {  	p0 =	seq.s32 s10, $0x1;
	s10 =	sld [smem:$0x3FBA];
	_ =	sdelay $0x3  }
0x34: {  	[smem:$0x3FBA] =	sst s10  }
0x35: {  	s10 =	sld [smem:$0x3FB9];
	_ =	sdelay $0x3  }
0x36: {  	p1 =	seq.s32 s10, $0x1;
	s10 =	sld [smem:$0x3FBA];
	_ =	sdelay $0x3  }
0x37: {  	[smem:$0x3FBA] =	sst s10  }
0x38: {  	s10 =	sld [smem:$0x3FBB]  }
0x39: {  	_ = 	snop;
	(pc) =	sbr.ind lr, $3  }
0x3a: {  	_ = 	snop  }
0x3b: {  	_ = 	snop  }
0x3c: {  	p2 =	seq.s32 s10, $0x1;
	s10 =	sld [smem:$0x3FBA]  }
0x3d: {  	_ =	shalt  }
0x3e: {  	_ =	shalt  }
0x3f: {  	_ =	shalt  }
0x40: {  	_ =	shalt  }
0x41: {  	_ =	shalt  }
0x42: {  	_ =	shalt  }
0x43: {  	_ =	shalt  }
0x44: {  	_ =	shalt  }
0x45: {  	_ =	shalt  }
0x46: {  	_ =	shalt  }
0x47: {  	_ =	shalt  }
0x48: {  	_ =	shalt  }
0x49: {  	_ =	shalt  }
0x4a: {  	_ =	shalt  }
0x4b: {  	_ =	shalt  }
0x4c: {  	_ =	shalt  }
0x4d: {  	_ =	shalt  }
0x4e: {  	_ =	shalt  }
0x4f: {  	_ =	shalt  }
0x50: {  	_ =	shalt  }
0x51: {  	_ =	shalt  }
0x52: {  	_ =	shalt  }
0x53: {  	_ =	shalt  }
0x54: {  	_ =	shalt  }
0x55: {  	_ =	shalt  }
0x56: {  	_ =	shalt  }
0x57: {  	_ =	shalt  }
0x58: {  	_ =	shalt  }
0x59: {  	_ =	shalt  }
0x5a: {  	_ =	shalt  }
0x5b: {  	_ =	shalt  }
0x5c: {  	_ =	shalt  }
0x5d: {  	_ =	shalt  }
0x5e: {  	_ =	shalt  }
0x5f: {  	_ =	shalt  }
0x60: {  	_ =	shalt  }
0x61: {  	_ =	shalt  }
0x62: {  	_ =	shalt  }
0x63: {  	_ =	shalt  }
0x64: {  	_ =	shalt  }
0x65: {  	_ =	shalt  }
0x66: {  	_ =	shalt  }
0x67: {  	_ =	shalt  }
0x68: {  	_ =	shalt  }
0x69: {  	_ =	shalt  }
0x6a: {  	_ =	shalt  }
0x6b: {  	_ =	shalt  }
0x6c: {  	_ =	shalt  }
0x6d: {  	_ =	shalt  }
0x6e: {  	_ =	shalt  }
0x6f: {  	_ =	shalt  }
0x70: {  	_ =	shalt  }
0x71: {  	_ =	shalt  }
0x72: {  	_ =	shalt  }
0x73: {  	_ =	shalt  }
0x74: {  	_ =	shalt  }
0x75: {  	_ =	shalt  }
0x76: {  	_ =	shalt  }
0x77: {  	_ =	shalt  }
0x78: {  	_ =	shalt  }
0x79: {  	_ =	shalt  }
0x7a: {  	_ =	shalt  }
0x7b: {  	_ =	shalt  }
0x7c: {  	_ =	shalt  }
0x7d: {  	_ =	shalt  }
0x7e: {  	_ =	shalt  }
0x7f: {  	_ =	shalt  }
0x80: {  	_ =	shalt  }
0x81: {  	_ =	shalt  }
0x82: {  	_ =	shalt  }
0x83: {  	_ =	shalt  }
0x84: {  	_ =	shalt  }
0x85: {  	_ =	shalt  }
0x86: {  	_ =	shalt  }
0x87: {  	_ =	shalt  }
.Lfunc_end0:
.L_simem_size_0:
called_computation_lowered:
.L_overlay_start_0:
0x88: {  	s2 =	sld [smem:$0x3FD9]  }
0x89: {  	s3 =	sld [smem:$0x3FFE];
	_ =	sdelay $0x1  }
0x8a: {  	s1 =	srdreg.scid  }
0x8b: {  	s0 =	sand.u32 $0x1, s1  }
0x8c: {  	s16 =	sshll.u32 s0, $0xA;
	s2 =	sadd.s32 s3, s2  }
0x8d: {  	s2 =	sadd.s32 s2, s16  }
0x8e: {  	[smem:$0x3FC6] =	sst s2  }
0x8f: {  	_ = 	snop  }
0x90: {  	(tm) =	ssettm $0x1  }
0x91: {  	s17 =	sld [smem:$0x3FFB];
	_ =	sdelay $0x3  }
0x92: {  	_ =	strace s17  }
0x93: {  	s2 =	sld [smem:$0x3FFC];
	_ =	sdelay $0x3  }
0x94: {  	_ =	strace s2  }
0x95: {  	s2 =	sld [smem:$0x3FFD];
	_ =	sdelay $0x3  }
0x96: {  	_ =	strace s2  }
0x97: {  	_ =	strace $0x8FFFFFFF  }
0x98: {  	s18 =	sld [smem:$0x3FDB];
	_ =	sdelay $0x1  }
0x99: {  	s19 =	simm.s32 $_scs_section_size  }
0x9a: {  	s4 =	simm.s32 $_size__tile_overlayer_lowered;
	s5 =	simm.s32 $_tile_overlayer_lowered  }
0x9b: {  	s22 =	simm.s32 $0x1BFF;
	s21 =	sshll.u32 s5, $0x1;
	s2 =	sadd.s32 s19, s18  }
0x9c: {  	s6 =	simm.s32 $0x0;
	s20 =	sshll.u32 s4, $0x1;
	s4 =	sadd.s32 s21, s2  }
0x9d: {  	[timem:s6], [sflag:s22] =	dma.local [hbm:s4], s20  }
0x9e: {  	_ =	swait.ge [sflag:s22], s20  }
0x9f: {  	s3 =	ssub.s32 $0x0, s20;
	[sflag:s22] =	ssyncset.done $0x0  }
0xa0: {  	[sflag:s22] =	ssyncadd.s32 s3;
	_ =	sdelay $0x1  }
0xa1: {  	s23 =	simm.s32 $0x1B8B  }
0xa2: {  	_ =	swait.ge [sflag:s23], $0x1  }
0xa3: {  	[sflag:s23] =	ssyncset.done $0x0  }
0xa4: {  	s25 =	simm.s32 $0x1B8E;
	s24 =	sld [smem:$0x3FFE];
	[sflag:s23] =	ssyncadd.s32 $0xFFFFFFFF  }
0xa5: {  	s26 =	simm.s32 $execute0_lowered;
	[smem:$0x3FD2] =	sst s25  }
0xa6: {  	s4 =	sshll.u32 s26, $0x1;
	_ =	strace $0x80000046;
	[dreg:$0x1] =	wrdreg $0xFFFFFFFF  }
0xa7: {  	s28 =	simm.s32 $_size_execute0_lowered;
	s2 =	sadd.s32 s2, s4;
	[dreg:$0x0] =	wrdreg $0x0  }
0xa8: {  	s4 =	sshll.u32 s28, $0x1;
	[dreg:$0x2] =	wrdreg s2  }
0xa9: {  	[dreg:$0x3] =	wrdreg s4  }
0xaa: {  	[dreg:$0x4] =	wrdreg $0xC0  }
0xab: {  	_ =	task [dreg:s6], $0x5FFFF  }
0xac: {  	[dreg:$0x1] =	wrdreg $0xFFFFFFFF  }
0xad: {  	[dreg:$0x0] =	wrdreg $0x60  }
0xae: {  	[dreg:$0x2] =	wrdreg s24  }
0xaf: {  	[dreg:$0x3] =	wrdreg $0x9  }
0xb0: {  	_ =	task.clear_ibuf [dreg:s6], $0x4FFFF;
	_ =	strace $0x90000046  }
0xb1: {  	s29 =	simm.s32 $0x9;
	_ =	strace $0x80000048  }
0xb2: {  	_ =	swait.ge [sflag:s29], $0x1  }
0xb3: {  	[sflag:s29] =	ssyncadd.s32 $0xFFFFFFFF  }
0xb4: {  	_ =	strace $0x90000048  }
0xb5: {  	_ =	sfence  }
0xb6: {  	s30 =	sld [smem:$0x0];
	_ =	sdelay $0x2  }
0xb7: {  	s31 =	sshll.u32 s1, $0xD;
	s1 =	sshrl.u32 s1, $0x2  }
0xb8: {  	s3 =	sand.u32 $0x4000, s31;
	s1 =	sadd.s32 s1, s30  }
0xb9: {  	s0 =	sor.u32 s3, s0;
	s1 =	sshll.u32 s1, $0x11  }
0xba: {  	s0 =	sor.u32 s1, s0  }
0xbb: {  	s0 =	sadd.s32 $0x8F2B, s0  }
0xbc: {  	[sflag:s0] =	ssyncadd.remote.s32 $0x1  }
0xbd: {  	_ =	sfence.sel $0xFFFF  }
0xbe: {  	[dreg:$0x0] =	wrdreg $0xFFFFFFFF;
	(pc) =	sbr.abs _section_cstart, $3  }
0xbf: {  	[dreg:$0x1] =	wrdreg $0xFFFFFFFF  }
0xc0: {  	_ =	task.clear_ibuf [dreg:s6], $0x2FFFF;
	_ =	strace $0x9FFFFFFF  }
0xc1: {  	(tm) =	ssettm $0x7FFFFFFF  }
tec
execute0_lowered:
.L_overlay_start_1:
0x0: {  	(tag) =	ssettag $0x1  }
0x1: {  	s0 =	srdreg.scid  }
0x2: {  	s8 =	stileid.u32;
	s2 =	rddreg [dreg:$0x0];
	s3 =	simm.s32 $0x0  }
0x3: {  	s10 =	simm.s32 $0x80;
	s11 =	simm.s32 $0x6400;
	s14 =	simm.s32 $0xA400  }
0x4: {  	s18 =	simm.s32 $0xE400;
	s22 =	simm.s32 $0x12400;
	s28 =	simm.s32 $0x2  }
0x5: {  	s29 =	simm.s32 $0x3;
	s30 =	simm.s32 $0x4;
	s12 =	simm.s32 $0x8  }
0x6: {  	s13 =	simm.s32 $0x0;
	s0 =	sand.u32 $0x1, s0;
	s4 =	smul.u32 $0xC800, s8  }
0x7: {  	s1 =	sshll.u32 s8, $0x1;
	[smem:$0x7FF] =	sst s3;
	s26 =	smul.u32 $0xC8000, s8  }
0x8: {  	s1 =	sor.u32 s0, s1;
	s5 =	ssub.s32 $0x2, s0;
	s6 =	smul.u32 $0x6400, s0  }
0x9: {  	s3 =	sadd.s32 $0x19400, s2;
	s1 =	smul.u32 $0xC80, s1;
	s7 =	sshrl.u32 s5, $0x1  }
0xa: {  	_ =	strace $0x80000047;
	s0 =	smul.u32 $0x64000, s0;
	s5 =	ssub.s32 s5, s7  }
0xb: {  	s4 =	sadd.s32 s6, s4;
	s1 =	sadd.s32 s1, s2;
	s2 =	sadd.s32 $0xDCA00, s2  }
0xc: {  	s25 =	sshll.u32 s4, $0x4;
	s5 =	smax.u32 s5, $0x1;
	s1 =	sadd.s32 $0x400, s1  }
0xd: {  	[dreg:$0x3] =	wrdreg s5;
	s31 =	sadd.s32 s26, s2;
	s26 =	simm.s32 $0x40  }
0xe: {  	[dreg:$0x2] =	wrdreg s1;
	s1 =	sadd.s32 s25, s2;
	s8 =	sadd.s32 s0, s31  }
0xf: {  	s25 =	simm.s32 $0x1;
	s6 =	sadd.s32 $0x2000, s1;
	s7 =	sadd.s32 $0x1000, s1  }
.LBB2_1:
0x10: {  	s0 =	simm.s32 $0x0;
	s1 =	rddreg [dreg:$0x2];
	s5 =	simm.s32 $0x9  }
0x11: {  	[tilespmem:s0], [sflag:$0x9] =	stream.linear.gather [hbm4b:s1+s0], $0x6400, $0x38;
	[tilespmem:$0x16400] =	vst v63  }
0x12: {  	_ =	swait.ge [sflag:s5], $0x6400  }
0x13: {  	[sflag:s5] =	ssyncset.done $0x0  }
0x14: {  	[sflag:s5] =	ssyncadd.s32 $0xFFFF9C00  }
0x15: {  	[tilespmem:s11], [sflag:$0x1] =	stream.indirect.gather [hbm4b:s3+s10], $0x40, s0, s10, $0xb8;
	[tilespmem:$0x16400] =	vst v63  }
0x16: {  	s9 =	simm.s32 $0x8400  }
0x17: {  	[tilespmem:s9], [sflag:$0x1] =	stream.indirect.gather [hbm4b:s3+s10], $0x40, s10, s10, $0xb8;
	[tilespmem:$0x16400] =	vst v63  }
0x18: {  	s15 =	simm.s32 $0x100  }
0x19: {  	[tilespmem:s14], [sflag:$0x2] =	stream.indirect.gather [hbm4b:s3+s10], $0x40, s15, s10, $0xb8;
	[tilespmem:$0x16400] =	vst v63  }
0x1a: {  	s16 =	simm.s32 $0x180;
	s17 =	simm.s32 $0xC400  }
0x1b: {  	[tilespmem:s17], [sflag:$0x2] =	stream.indirect.gather [hbm4b:s3+s10], $0x40, s16, s10, $0xb8;
	[tilespmem:$0x16400] =	vst v63  }
0x1c: {  	s19 =	simm.s32 $0x200  }
0x1d: {  	[tilespmem:s18], [sflag:$0x3] =	stream.indirect.gather [hbm4b:s3+s10], $0x40, s19, s10, $0xb8;
	[tilespmem:$0x16400] =	vst v63  }
0x1e: {  	s20 =	simm.s32 $0x280;
	s21 =	simm.s32 $0x10400;
	p0 =	por $0x1, $0x1  }
0x1f: {  	[tilespmem:s21], [sflag:$0x3] =	stream.indirect.gather [hbm4b:s3+s10], $0x40, s20, s10, $0xb8;
	[tilespmem:$0x16400] =	vst v63  }
0x20: {  	s23 =	simm.s32 $0x300;
	p1 =	por p0, p0  }
0x21: {  	[tilespmem:s22], [sflag:$0x4] =	stream.indirect.gather [hbm4b:s3+s10], $0x40, s23, s10, $0xb8;
	[tilespmem:$0x16400] =	vst v63  }
0x22: {  	s24 =	simm.s32 $0x380;
	s31 =	simm.s32 $0x14400;
	s2 =	simm.s32 @!p1 $0x8  }
0x23: {  	[tilespmem:s31], [sflag:$0x4] =	stream.indirect.gather [hbm4b:s3+s10], $0x40, s24, s10, $0xb8;
	[tilespmem:$0x16400] =	vst v63  }
0x24: {  	_ =	swait.ge @!p1 [sflag:s2], $0x4000  }
0x25: {  	s4 =	simm.s32 @!p0 $0x300;
	[sflag:s2] =	ssyncset.done @!p1 $0x0  }
0x26: {  	s15 =	simm.s32 @!p1 $0x12400;
	[sflag:s2] =	ssyncadd.s32 @!p1 $0xFFFFC000;
	s2 =	simm.s32 @!p1 $0x80  }
0x27: {  	[tilespmem:s15], [sflag:$0x4] =	stream.indirect.gather @!p1 [hbm4b:s3+s2], $0x40, s4, s2, $0xb8;
	[tilespmem:$0x16400] =	vst v63  }
0x28: {  	s4 =	simm.s32 @!p0 $0x380;
	s15 =	simm.s32 @!p1 $0x14400  }
0x29: {  	[tilespmem:s15], [sflag:$0x4] =	stream.indirect.gather @!p1 [hbm4b:s3+s2], $0x40, s4, s2, $0xb8;
	[tilespmem:$0x16400] =	vst v63  }
0x2a: {  	_ =	swait.ge [sflag:s25], $0x2000  }
0x2b: {  	[sflag:s25] =	ssyncset.done $0x0  }
0x2c: {  	[sflag:s25] =	ssyncadd.s32 $0xFFFFE000  }
0x2d: {  	_ =	swait.ge [sflag:s25], $0x2000  }
0x2e: {  	p0 =	por $0x0, $0x0;
	[sflag:s25] =	ssyncset.done $0x0  }
0x2f: {  	s2 =	simm.s32 @!p0 $0x5;
	[sflag:s25] =	ssyncadd.s32 $0xFFFFE000  }
0x30: {  	[hbm4b:s8+s26] =	stream.strided.scatter [tilespmem:s11], [sflag:$0x5], $0x4000, s10, s26, $0x38;
	[tilespmem:$0x16400] =	vst v63  }
0x31: {  	_ =	swait.ge @!p0 [sflag:s2], $0x4000  }
0x32: {  	s16 =	simm.s32 @!p0 $0x6400;
	[sflag:s2] =	ssyncset.done @!p0 $0x0  }
0x33: {  	s4 =	simm.s32 @!p0 $0x400;
	s15 =	simm.s32 @!p0 $0x80;
	[sflag:s2] =	ssyncadd.s32 @!p0 $0xFFFFC000  }
0x34: {  	[tilespmem:s16], [sflag:$0x1] =	stream.indirect.gather @!p0 [hbm4b:s3+s15], $0x40, s4, s15, $0xb8;
	[tilespmem:$0x16400] =	vst v63  }
0x35: {  	s2 =	simm.s32 @!p0 $0x480;
	s4 =	simm.s32 @!p0 $0x8400  }
0x36: {  	[tilespmem:s4], [sflag:$0x1] =	stream.indirect.gather @!p0 [hbm4b:s3+s15], $0x40, s2, s15, $0xb8;
	[tilespmem:$0x16400] =	vst v63  }
0x37: {  	_ =	swait.ge [sflag:s28], $0x2000  }
0x38: {  	[sflag:s28] =	ssyncset.done $0x0  }
0x39: {  	[sflag:s28] =	ssyncadd.s32 $0xFFFFE000  }
0x3a: {  	_ =	swait.ge [sflag:s28], $0x2000  }
0x3b: {  	[sflag:s28] =	ssyncset.done $0x0  }
0x3c: {  	s2 =	simm.s32 @!p0 $0x6;
	[sflag:s28] =	ssyncadd.s32 $0xFFFFE000  }
0x3d: {  	[hbm4b:s7+s26] =	stream.strided.scatter [tilespmem:s14], [sflag:$0x6], $0x4000, s10, s26, $0x38;
	[tilespmem:$0x16400] =	vst v63  }
0x3e: {  	_ =	swait.ge @!p0 [sflag:s2], $0x4000  }
0x3f: {  	[sflag:s2] =	ssyncset.done @!p0 $0x0  }
0x40: {  	s16 =	simm.s32 @!p0 $0xA400;
	s4 =	simm.s32 @!p0 $0x500;
	[sflag:s2] =	ssyncadd.s32 @!p0 $0xFFFFC000  }
0x41: {  	[tilespmem:s16], [sflag:$0x2] =	stream.indirect.gather @!p0 [hbm4b:s3+s15], $0x40, s4, s15, $0xb8;
	[tilespmem:$0x16400] =	vst v63  }
0x42: {  	s2 =	simm.s32 @!p0 $0x580;
	s4 =	simm.s32 @!p0 $0xC400  }
0x43: {  	[tilespmem:s4], [sflag:$0x2] =	stream.indirect.gather @!p0 [hbm4b:s3+s15], $0x40, s2, s15, $0xb8;
	[tilespmem:$0x16400] =	vst v63  }
0x44: {  	_ =	swait.ge [sflag:s29], $0x2000  }
0x45: {  	[sflag:s29] =	ssyncset.done $0x0  }
0x46: {  	[sflag:s29] =	ssyncadd.s32 $0xFFFFE000  }
0x47: {  	_ =	swait.ge [sflag:s29], $0x2000  }
0x48: {  	[sflag:s29] =	ssyncset.done $0x0  }
0x49: {  	s2 =	simm.s32 @!p0 $0x7;
	[sflag:s29] =	ssyncadd.s32 $0xFFFFE000  }
0x4a: {  	[hbm4b:s6+s26] =	stream.strided.scatter [tilespmem:s18], [sflag:$0x7], $0x4000, s10, s26, $0x38;
	[tilespmem:$0x16400] =	vst v63  }
0x4b: {  	_ =	swait.ge @!p0 [sflag:s2], $0x4000  }
0x4c: {  	[sflag:s2] =	ssyncset.done @!p0 $0x0  }
0x4d: {  	s16 =	simm.s32 @!p0 $0xE400;
	s4 =	simm.s32 @!p0 $0x600;
	[sflag:s2] =	ssyncadd.s32 @!p0 $0xFFFFC000  }
0x4e: {  	[tilespmem:s16], [sflag:$0x3] =	stream.indirect.gather @!p0 [hbm4b:s3+s15], $0x40, s4, s15, $0xb8;
	[tilespmem:$0x16400] =	vst v63  }
0x4f: {  	s17 =	sadd.s32 $0x4000, s7;
	s2 =	simm.s32 @!p0 $0x680;
	s4 =	simm.s32 @!p0 $0x10400  }
0x50: {  	[tilespmem:s4], [sflag:$0x3] =	stream.indirect.gather @!p0 [hbm4b:s3+s15], $0x40, s2, s15, $0xb8;
	[tilespmem:$0x16400] =	vst v63  }
0x51: {  	s19 =	simm.s32 $0x1000;
	s23 =	simm.s32 $0x2000;
	_ =	swait.ge [sflag:s30], $0x2000  }
0x52: {  	s16 =	sadd.s32 $0x4000, s6;
	p0 =	por $0x0, $0x0;
	[sflag:s30] =	ssyncset.done $0x0  }
0x53: {  	s15 =	sadd.s32 $0x4000, s8;
	s21 =	simm.s32 @!p0 $0x700;
	[sflag:s30] =	ssyncadd.s32 $0xFFFFE000  }
0x54: {  	s20 =	simm.s32 @!p0 $0x780;
	p0 =	por p0, p0;
	_ =	swait.ge [sflag:s30], $0x2000  }
0x55: {  	s4 =	sadd.s32 $0x3000, s8;
	s2 =	simm.s32 @!p0 $0x8;
	[sflag:s30] =	ssyncset.done $0x0  }
.LBB2_2:
0x56: {  	p2 =	seq.s32 s23, $0x0;
	[sflag:s30] =	ssyncadd.s32 $0xFFFFE000  }
0x57: {  	s5 =	smov.u32 s23;
	s23 =	sadd.s32 $0x1000, s23;
	s24 =	smov.u32 s15  }
0x58: {  	[hbm4b:s4+s26] =	stream.strided.scatter [tilespmem:s22], [sflag:$0x8], $0x4000, s10, s26, $0x38;
	[tilespmem:$0x16400] =	vst v63  }
0x59: {  	s4 =	sshra.s32 @!p2 s5, $0x2;
	p1 =	sne.s32 s23, $0x19000;
	_ =	swait.ge @!p0 [sflag:s2], $0x4000  }
0x5a: {  	s9 =	sadd.s32 @!p2 $0x300, s4;
	s4 =	sadd.s32 @!p2 $0x380, s4;
	[sflag:s2] =	ssyncset.done @!p0 $0x0  }
0x5b: {  	s31 =	simm.s32 @!p0 $0x12400;
	[sflag:s2] =	ssyncadd.s32 @!p0 $0xFFFFC000;
	s2 =	simm.s32 @!p0 $0x80  }
0x5c: {  	[tilespmem:s31], [sflag:$0x4] =	stream.indirect.gather @!p0 [hbm4b:s3+s2], $0x40, s21, s2, $0xb8;
	[tilespmem:$0x16400] =	vst v63  }
0x5d: {  	s31 =	simm.s32 @!p0 $0x14400;
	s21 =	smov.u32 s9  }
0x5e: {  	[tilespmem:s31], [sflag:$0x4] =	stream.indirect.gather @!p0 [hbm4b:s3+s2], $0x40, s20, s2, $0xb8;
	[tilespmem:$0x16400] =	vst v63  }
0x5f: {  	s20 =	smov.u32 s4;
	p0 =	por p2, p2;
	_ =	swait.ge [sflag:s25], $0x2000  }
0x60: {  	[sflag:s25] =	ssyncset.done $0x0  }
0x61: {  	[sflag:s25] =	ssyncadd.s32 $0xFFFFE000  }
0x62: {  	_ =	swait.ge [sflag:s25], $0x2000  }
0x63: {  	[sflag:s25] =	ssyncset.done $0x0  }
0x64: {  	p2 =	seq.s32 s19, $0x18000;
	[sflag:s25] =	ssyncadd.s32 $0xFFFFE000  }
0x65: {  	[hbm4b:s15+s26] =	stream.strided.scatter [tilespmem:s11], [sflag:$0x5], $0x4000, s10, s26, $0x38;
	[tilespmem:$0x16400] =	vst v63  }
0x66: {  	s4 =	simm.s32 @!p2 $0x5;
	s9 =	sshra.s32 @!p2 s19, $0x2;
	s19 =	smov.u32 s5  }
0x67: {  	s5 =	sadd.s32 @!p2 $0x400, s9;
	s31 =	sadd.s32 @!p2 $0x480, s9;
	_ =	swait.ge @!p2 [sflag:s4], $0x4000  }
0x68: {  	s2 =	simm.s32 @!p2 $0x80;
	s1 =	simm.s32 @!p2 $0x6400;
	[sflag:s4] =	ssyncset.done @!p2 $0x0  }
0x69: {  	s0 =	sadd.s32 @!p2 $0x500, s9;
	[sflag:s4] =	ssyncadd.s32 @!p2 $0xFFFFC000;
	s4 =	simm.s32 @!p2 $0x8400  }
0x6a: {  	[tilespmem:s1], [sflag:$0x1] =	stream.indirect.gather @!p2 [hbm4b:s3+s2], $0x40, s5, s2, $0xb8;
	[tilespmem:$0x16400] =	vst v63  }
0x6b: {  	s1 =	sadd.s32 @!p2 $0x580, s9;
	s5 =	sadd.s32 @!p2 $0x600, s9;
	s9 =	sadd.s32 @!p2 $0x680, s9  }
0x6c: {  	[tilespmem:s4], [sflag:$0x1] =	stream.indirect.gather @!p2 [hbm4b:s3+s2], $0x40, s31, s2, $0xb8;
	[tilespmem:$0x16400] =	vst v63  }
0x6d: {  	_ =	swait.ge [sflag:s28], $0x2000  }
0x6e: {  	[sflag:s28] =	ssyncset.done $0x0  }
0x6f: {  	[sflag:s28] =	ssyncadd.s32 $0xFFFFE000  }
0x70: {  	_ =	swait.ge [sflag:s28], $0x2000  }
0x71: {  	[sflag:s28] =	ssyncset.done $0x0  }
0x72: {  	s4 =	simm.s32 @!p2 $0x6;
	[sflag:s28] =	ssyncadd.s32 $0xFFFFE000  }
0x73: {  	[hbm4b:s17+s26] =	stream.strided.scatter [tilespmem:s14], [sflag:$0x6], $0x4000, s10, s26, $0x38;
	[tilespmem:$0x16400] =	vst v63  }
0x74: {  	_ =	swait.ge @!p2 [sflag:s4], $0x4000  }
0x75: {  	s31 =	simm.s32 @!p2 $0xA400;
	[sflag:s4] =	ssyncset.done @!p2 $0x0  }
0x76: {  	[sflag:s4] =	ssyncadd.s32 @!p2 $0xFFFFC000;
	s4 =	simm.s32 @!p2 $0xC400  }
0x77: {  	[tilespmem:s31], [sflag:$0x2] =	stream.indirect.gather @!p2 [hbm4b:s3+s2], $0x40, s0, s2, $0xb8;
	[tilespmem:$0x16400] =	vst v63  }
0x78: {  	_ = 	snop  }
0x79: {  	[tilespmem:s4], [sflag:$0x2] =	stream.indirect.gather @!p2 [hbm4b:s3+s2], $0x40, s1, s2, $0xb8;
	[tilespmem:$0x16400] =	vst v63  }
0x7a: {  	_ =	swait.ge [sflag:s29], $0x2000  }
0x7b: {  	[sflag:s29] =	ssyncset.done $0x0  }
0x7c: {  	[sflag:s29] =	ssyncadd.s32 $0xFFFFE000  }
0x7d: {  	_ =	swait.ge [sflag:s29], $0x2000  }
0x7e: {  	[sflag:s29] =	ssyncset.done $0x0  }
0x7f: {  	s0 =	simm.s32 @!p2 $0x7;
	[sflag:s29] =	ssyncadd.s32 $0xFFFFE000  }
0x80: {  	[hbm4b:s16+s26] =	stream.strided.scatter [tilespmem:s18], [sflag:$0x7], $0x4000, s10, s26, $0x38;
	[tilespmem:$0x16400] =	vst v63  }
0x81: {  	_ =	swait.ge @!p2 [sflag:s0], $0x4000  }
0x82: {  	s1 =	simm.s32 @!p2 $0xE400;
	[sflag:s0] =	ssyncset.done @!p2 $0x0  }
0x83: {  	[sflag:s0] =	ssyncadd.s32 @!p2 $0xFFFFC000;
	s0 =	simm.s32 @!p2 $0x10400  }
0x84: {  	[tilespmem:s1], [sflag:$0x3] =	stream.indirect.gather @!p2 [hbm4b:s3+s2], $0x40, s5, s2, $0xb8;
	[tilespmem:$0x16400] =	vst v63  }
0x85: {  	_ = 	snop  }
0x86: {  	[tilespmem:s0], [sflag:$0x3] =	stream.indirect.gather @!p2 [hbm4b:s3+s2], $0x40, s9, s2, $0xb8;
	[tilespmem:$0x16400] =	vst v63  }
.Ltmp0:
0x87: {  	_ =	swait.ge [sflag:s30], $0x2000;
	(pc) =	sbr.rel @p1 .LBB2_2-.Ltmp0, $4  }
0x88: {  	[sflag:s30] =	ssyncset.done $0x0  }
0x89: {  	s15 =	sadd.s32 $0x4000, s15;
	[sflag:s30] =	ssyncadd.s32 $0xFFFFE000  }
0x8a: {  	s17 =	sadd.s32 $0x4000, s17;
	s16 =	sadd.s32 $0x4000, s16;
	_ =	swait.ge [sflag:s30], $0x2000  }
0x8b: {  	s4 =	sadd.s32 $0x3000, s24;
	s2 =	simm.s32 @!p0 $0x8;
	[sflag:s30] =	ssyncset.done $0x0  }
0x8c: {  	[sflag:s30] =	ssyncadd.s32 $0xFFFFE000  }
0x8d: {  	[hbm4b:s4+s26] =	stream.strided.scatter [tilespmem:s22], [sflag:$0x8], $0x4000, s10, s26, $0x38;
	[tilespmem:$0x16400] =	vst v63  }
0x8e: {  	_ =	swait.ge @!p0 [sflag:s2], $0x4000  }
0x8f: {  	[sflag:s2] =	ssyncset.done @!p0 $0x0  }
0x90: {  	s0 =	simm.s32 @!p0 $0x80;
	s1 =	simm.s32 @!p0 $0x12400;
	[sflag:s2] =	ssyncadd.s32 @!p0 $0xFFFFC000  }
0x91: {  	[tilespmem:s1], [sflag:$0x4] =	stream.indirect.gather @!p0 [hbm4b:s3+s0], $0x40, s21, s0, $0xb8;
	[tilespmem:$0x16400] =	vst v63  }
0x92: {  	s1 =	simm.s32 @!p0 $0x14400  }
0x93: {  	[tilespmem:s1], [sflag:$0x4] =	stream.indirect.gather @!p0 [hbm4b:s3+s0], $0x40, s20, s0, $0xb8;
	[tilespmem:$0x16400] =	vst v63  }
0x94: {  	_ =	swait.ge [sflag:s25], $0x2000  }
0x95: {  	[sflag:s25] =	ssyncset.done $0x0  }
0x96: {  	[sflag:s25] =	ssyncadd.s32 $0xFFFFE000  }
0x97: {  	_ =	swait.ge [sflag:s25], $0x2000  }
0x98: {  	p0 =	seq.s32 s19, $0x18000;
	[sflag:s25] =	ssyncset.done $0x0  }
0x99: {  	s0 =	simm.s32 @!p0 $0x5;
	[sflag:s25] =	ssyncadd.s32 $0xFFFFE000  }
0x9a: {  	[hbm4b:s15+s26] =	stream.strided.scatter [tilespmem:s11], [sflag:$0x5], $0x4000, s10, s26, $0x38;
	[tilespmem:$0x16400] =	vst v63  }
0x9b: {  	_ =	swait.ge @!p0 [sflag:s0], $0x4000  }
0x9c: {  	s1 =	sshra.s32 @!p0 s19, $0x2;
	s4 =	simm.s32 @!p0 $0x80;
	[sflag:s0] =	ssyncset.done @!p0 $0x0  }
0x9d: {  	s2 =	sadd.s32 @!p0 $0x400, s1;
	[sflag:s0] =	ssyncadd.s32 @!p0 $0xFFFFC000;
	s0 =	simm.s32 @!p0 $0x6400  }
0x9e: {  	[tilespmem:s0], [sflag:$0x1] =	stream.indirect.gather @!p0 [hbm4b:s3+s4], $0x40, s2, s4, $0xb8;
	[tilespmem:$0x16400] =	vst v63  }
0x9f: {  	s0 =	sadd.s32 @!p0 $0x480, s1;
	s2 =	simm.s32 @!p0 $0x8400  }
0xa0: {  	[tilespmem:s2], [sflag:$0x1] =	stream.indirect.gather @!p0 [hbm4b:s3+s4], $0x40, s0, s4, $0xb8;
	[tilespmem:$0x16400] =	vst v63  }
0xa1: {  	_ =	swait.ge [sflag:s28], $0x2000  }
0xa2: {  	[sflag:s28] =	ssyncset.done $0x0  }
0xa3: {  	[sflag:s28] =	ssyncadd.s32 $0xFFFFE000  }
0xa4: {  	_ =	swait.ge [sflag:s28], $0x2000  }
0xa5: {  	[sflag:s28] =	ssyncset.done $0x0  }
0xa6: {  	s0 =	simm.s32 @!p0 $0x6;
	[sflag:s28] =	ssyncadd.s32 $0xFFFFE000  }
0xa7: {  	[hbm4b:s17+s26] =	stream.strided.scatter [tilespmem:s14], [sflag:$0x6], $0x4000, s10, s26, $0x38;
	[tilespmem:$0x16400] =	vst v63  }
0xa8: {  	_ =	swait.ge @!p0 [sflag:s0], $0x4000  }
0xa9: {  	[sflag:s0] =	ssyncset.done @!p0 $0x0  }
0xaa: {  	s2 =	sadd.s32 @!p0 $0x500, s1;
	[sflag:s0] =	ssyncadd.s32 @!p0 $0xFFFFC000;
	s0 =	simm.s32 @!p0 $0xA400  }
0xab: {  	[tilespmem:s0], [sflag:$0x2] =	stream.indirect.gather @!p0 [hbm4b:s3+s4], $0x40, s2, s4, $0xb8;
	[tilespmem:$0x16400] =	vst v63  }
0xac: {  	s0 =	sadd.s32 @!p0 $0x580, s1;
	s2 =	simm.s32 @!p0 $0xC400  }
0xad: {  	[tilespmem:s2], [sflag:$0x2] =	stream.indirect.gather @!p0 [hbm4b:s3+s4], $0x40, s0, s4, $0xb8;
	[tilespmem:$0x16400] =	vst v63  }
0xae: {  	_ =	swait.ge [sflag:s29], $0x2000  }
0xaf: {  	[sflag:s29] =	ssyncset.done $0x0  }
0xb0: {  	[sflag:s29] =	ssyncadd.s32 $0xFFFFE000  }
0xb1: {  	_ =	swait.ge [sflag:s29], $0x2000  }
0xb2: {  	[sflag:s29] =	ssyncset.done $0x0  }
0xb3: {  	s0 =	simm.s32 @!p0 $0x7;
	[sflag:s29] =	ssyncadd.s32 $0xFFFFE000  }
0xb4: {  	[hbm4b:s16+s26] =	stream.strided.scatter [tilespmem:s18], [sflag:$0x7], $0x4000, s10, s26, $0x38;
	[tilespmem:$0x16400] =	vst v63  }
0xb5: {  	_ =	swait.ge @!p0 [sflag:s0], $0x4000  }
0xb6: {  	[sflag:s0] =	ssyncset.done @!p0 $0x0  }
0xb7: {  	s2 =	sadd.s32 @!p0 $0x600, s1;
	[sflag:s0] =	ssyncadd.s32 @!p0 $0xFFFFC000;
	s0 =	simm.s32 @!p0 $0xE400  }
0xb8: {  	[tilespmem:s0], [sflag:$0x3] =	stream.indirect.gather @!p0 [hbm4b:s3+s4], $0x40, s2, s4, $0xb8;
	[tilespmem:$0x16400] =	vst v63  }
0xb9: {  	s0 =	sadd.s32 @!p0 $0x680, s1;
	s1 =	simm.s32 @!p0 $0x10400  }
0xba: {  	[tilespmem:s1], [sflag:$0x3] =	stream.indirect.gather @!p0 [hbm4b:s3+s4], $0x40, s0, s4, $0xb8;
	[tilespmem:$0x16400] =	vst v63  }
0xbb: {  	_ =	swait.ge [sflag:s30], $0x2000  }
0xbc: {  	[sflag:s30] =	ssyncset.done $0x0  }
0xbd: {  	[sflag:s30] =	ssyncadd.s32 $0xFFFFE000  }
0xbe: {  	_ =	swait.ge [sflag:s30], $0x2000  }
0xbf: {  	[sflag:s30] =	ssyncset.done $0x0  }
0xc0: {  	s21 =	simm.s32 $0x5;
	s20 =	sadd.s32 $0x3000, s15;
	[sflag:s30] =	ssyncadd.s32 $0xFFFFE000  }
0xc1: {  	[hbm4b:s20+s26] =	stream.strided.scatter [tilespmem:s22], [sflag:$0x8], $0x4000, s10, s26, $0x38;
	[tilespmem:$0x16400] =	vst v63  }
0xc2: {  	_ =	swait.ge [sflag:s21], $0x4000  }
0xc3: {  	[sflag:s21] =	ssyncset.done $0x0  }
0xc4: {  	s23 =	simm.s32 $0x6;
	[sflag:s21] =	ssyncadd.s32 $0xFFFFC000  }
0xc5: {  	_ =	swait.ge [sflag:s23], $0x4000  }
0xc6: {  	[sflag:s23] =	ssyncset.done $0x0  }
0xc7: {  	s24 =	simm.s32 $0x7;
	[sflag:s23] =	ssyncadd.s32 $0xFFFFC000  }
0xc8: {  	_ =	swait.ge [sflag:s24], $0x4000  }
0xc9: {  	[sflag:s24] =	ssyncset.done $0x0  }
0xca: {  	[sflag:s24] =	ssyncadd.s32 $0xFFFFC000  }
0xcb: {  	_ =	swait.ge [sflag:s12], $0x4000  }
0xcc: {  	s13 =	sadd.s32 $0x1, s13;
	s31 =	rddreg [dreg:$0x3]  }
0xcd: {  	p0 =	sne.s32 s13, s31  }
.Ltmp1:
0xce: {  	_ = 	snop;
	(pc) =	sbr.rel @p0 .LBB2_1-.Ltmp1, $3  }
0xcf: {  	_ =	sdelay $0x1  }
0xd0: {  	[sflag:s12] =	ssyncset.done $0x0  }
0xd1: {  	[sflag:s12] =	ssyncadd.s32 $0xFFFFC000  }
0xd2: {  	_ =	sfence.sel $0x180000  }
0xd3: {  	[bflag:$0x0] =	sbarrier.arrive $0xFFFF  }
0xd4: {  	_ =	strace $0x90000047  }
0xd5: {  	s0 =	stileid.u32;
	[bflag:$0x2] =	sbarrier.arrive $0xFFFF  }
0xd6: {  	p0 =	sne.s32 s0, $0x0;
	s0 =	rddreg [dreg:$0x1]  }
0xd7: {  	s0 =	sadd.s32 @!p0 $0x100000, s0  }
0xd8: {  	[sflag:s0] =	ssyncadd.tile.s32 @!p0 $0x1;
	_ =	shalt  }
.Lfunc_end2:
_tile_overlayer_lowered:
.L_overlay_start_2:
0xd9: {  	(tag) =	ssettag $0x2  }
0xda: {  	s0 =	rddreg [dreg:$0x0];
	s2 =	stileid.u32  }
0xdb: {  	s1 =	rddreg [dreg:$0x1];
	p0 =	sne.s32 s2, $0x0  }
0xdc: {  	s3 =	rddreg [dreg:$0x2];
	[bflag:$0x3] =	sbarrier.arrive $0xFFFF;
	s2 =	simm.s32 @!p0 $0x1C09  }
0xdd: {  	[timem:s3], [sflag:s2] =	dma.local @!p0 [hbm:s0], s1  }
0xde: {  	s0 =	simm.s32 @!p0 $0x9  }
0xdf: {  	_ =	swait.ge @!p0 [sflag:s0], s1  }
0xe0: {  	s1 =	ssub.s32 @!p0 $0x0, s1;
	[sflag:s0] =	ssyncset.done @!p0 $0x0  }
0xe1: {  	[sflag:s0] =	ssyncadd.s32 @!p0 s1  }
0xe2: {  	[bflag:$0x3] =	sbarrier.arrive $0xFFFF  }
0xe3: {  	_ =	shalt  }

</sc_bundles>
